<compile_context>
chip_gen: v7x
topology: tpu7x:2x2x1
jax: 0.10.2.dev20260603
libtpu: 0.0.44.dev20260713+nightly
codegen_flags: <defaults>
</compile_context>

<pallas_src>
import functools

import jax
import jax.numpy as jnp
from jax import lax
from jax.experimental import pallas as pl
from jax.experimental.pallas import tpu as pltpu
from jax.experimental.pallas import tpu_sc as plsc

N = 10000
E = 320000
D = 128
NC = 2
NS = 16
NW = NC * NS
RP = 10240
RPT = RP // NS
EPT = E // NW
K = 80
CHUNKS = EPT // K

BR = 2048
GR = RP // BR

_mesh = plsc.VectorSubcoreMesh(core_axis_name="c", subcore_axis_name="s")



@functools.partial(
    pl.kernel,
    out_type=jax.ShapeDtypeStruct((NC * RP, D), jnp.float32),
    mesh=_mesh,
    scratch_types=[
        pltpu.VMEM((K,), jnp.int32),
        pltpu.VMEM((K, D), jnp.float32),
        pltpu.VMEM_SHARED((RP, D), jnp.float32),
    ],
)
def _sc_degree(dst_hbm, ones_hbm, zeros_hbm, out_hbm, idx_v, ones_v, acc_sh):
    c = lax.axis_index("c")
    s = lax.axis_index("s")
    wid = c * NS + s
    pltpu.sync_copy(zeros_hbm, acc_sh.at[pl.ds(s * RPT, RPT)])
    pltpu.sync_copy(ones_hbm, ones_v)
    plsc.subcore_barrier()
    base = wid * EPT

    @pl.loop(0, CHUNKS)
    def _(i):
        pltpu.sync_copy(dst_hbm.at[pl.ds(base + i * K, K)], idx_v)
        pltpu.sync_copy(ones_v, acc_sh.at[idx_v], add=True)

    plsc.subcore_barrier()
    pltpu.sync_copy(acc_sh.at[pl.ds(s * RPT, RPT)],
                    out_hbm.at[pl.ds(c * RP + s * RPT, RPT)])


@functools.partial(
    pl.kernel,
    out_type=jax.ShapeDtypeStruct((NC * RP, D), jnp.float32),
    mesh=_mesh,
    scratch_types=[
        pltpu.VMEM((K,), jnp.int32),
        pltpu.VMEM((K,), jnp.int32),
        pltpu.VMEM((K, D), jnp.float32),
        pltpu.VMEM_SHARED((RP, D), jnp.float32),
        pltpu.SemaphoreType.DMA,
    ],
)
def _sc_aggregate(g_hbm, src_hbm, dst_hbm, zeros_hbm, out_hbm,
                  src_v, dst_v, rows_v, acc_sh, sem):
    c = lax.axis_index("c")
    s = lax.axis_index("s")
    wid = c * NS + s
    pltpu.sync_copy(zeros_hbm, acc_sh.at[pl.ds(s * RPT, RPT)])
    plsc.subcore_barrier()
    base = wid * EPT

    @pl.loop(0, CHUNKS)
    def _(i):
        off = base + i * K
        pltpu.sync_copy(src_hbm.at[pl.ds(off, K)], src_v)
        pltpu.sync_copy(dst_hbm.at[pl.ds(off, K)], dst_v)
        pltpu.async_copy(g_hbm.at[src_v], rows_v, sem).wait()
        pltpu.sync_copy(rows_v, acc_sh.at[dst_v], add=True)

    plsc.subcore_barrier()
    pltpu.sync_copy(acc_sh.at[pl.ds(s * RPT, RPT)],
                    out_hbm.at[pl.ds(c * RP + s * RPT, RPT)])



def _dot(a, b):
    return lax.dot_general(a, b, (((1,), (0,)), ((), ())),
                           preferred_element_type=jnp.float32)


def _mm_body(x_ref, w_ref, o_ref):
    o_ref[...] = _dot(x_ref[...], w_ref[...])


_tc_mm = pl.pallas_call(
    _mm_body,
    grid=(GR,),
    in_specs=[pl.BlockSpec((BR, D), lambda i: (i, 0)),
              pl.BlockSpec((D, D), lambda i: (0, 0))],
    out_specs=pl.BlockSpec((BR, D), lambda i: (i, 0)),
    out_shape=jax.ShapeDtypeStruct((RP, D), jnp.float32),
)


def _scale_body(h_ref, p0_ref, p1_ref, dinv_ref, g_ref):
    deg = p0_ref[:, 0] + p1_ref[:, 0] + 1.0
    dinv = 1.0 / jnp.sqrt(deg)
    dinv_ref[...] = dinv
    g_ref[...] = h_ref[...] * dinv[:, None]


_tc_scale = pl.pallas_call(
    _scale_body,
    grid=(GR,),
    in_specs=[pl.BlockSpec((BR, D), lambda i: (i, 0)),
              pl.BlockSpec((BR, D), lambda i: (i, 0)),
              pl.BlockSpec((BR, D), lambda i: (i, 0))],
    out_specs=[pl.BlockSpec((BR,), lambda i: (i,)),
               pl.BlockSpec((BR, D), lambda i: (i, 0))],
    out_shape=[jax.ShapeDtypeStruct((RP,), jnp.float32),
               jax.ShapeDtypeStruct((RP, D), jnp.float32)],
)


def _layer_body(g_ref, q0_ref, q1_ref, dinv_ref, b_ref, w_ref, o_ref):
    dinv = dinv_ref[...]
    z = (g_ref[...] + q0_ref[...] + q1_ref[...]) * dinv[:, None] + b_ref[...]
    z = jnp.maximum(z, 0.0)
    o_ref[...] = _dot(z, w_ref[...]) * dinv[:, None]


_tc_layer = pl.pallas_call(
    _layer_body,
    grid=(GR,),
    in_specs=[pl.BlockSpec((BR, D), lambda i: (i, 0)),
              pl.BlockSpec((BR, D), lambda i: (i, 0)),
              pl.BlockSpec((BR, D), lambda i: (i, 0)),
              pl.BlockSpec((BR,), lambda i: (i,)),
              pl.BlockSpec((1, D), lambda i: (0, 0)),
              pl.BlockSpec((D, D), lambda i: (0, 0))],
    out_specs=pl.BlockSpec((BR, D), lambda i: (i, 0)),
    out_shape=jax.ShapeDtypeStruct((RP, D), jnp.float32),
)


def _final_body(g_ref, q0_ref, q1_ref, dinv_ref, b_ref, wv_ref, bo_ref, o_ref):
    dinv = dinv_ref[...]
    z = (g_ref[...] + q0_ref[...] + q1_ref[...]) * dinv[:, None] + b_ref[...]
    z = jnp.maximum(z, 0.0)
    o_ref[...] = jnp.sum(z * wv_ref[...], axis=1, keepdims=True) + bo_ref[0, 0]


_tc_final = pl.pallas_call(
    _final_body,
    grid=(GR,),
    in_specs=[pl.BlockSpec((BR, D), lambda i: (i, 0)),
              pl.BlockSpec((BR, D), lambda i: (i, 0)),
              pl.BlockSpec((BR, D), lambda i: (i, 0)),
              pl.BlockSpec((BR,), lambda i: (i,)),
              pl.BlockSpec((1, D), lambda i: (0, 0)),
              pl.BlockSpec((1, D), lambda i: (0, 0)),
              pl.BlockSpec((1, 1), lambda i: (0, 0))],
    out_specs=pl.BlockSpec((BR, 1), lambda i: (i, 0)),
    out_shape=jax.ShapeDtypeStruct((RP, 1), jnp.float32),
)


def kernel(x, edge_index, W1, b1, W2, b2, Wo, bo):
    src = edge_index[0].astype(jnp.int32)
    dst = edge_index[1].astype(jnp.int32)
    xp = jnp.pad(x, ((0, RP - N), (0, 0)))
    onesD = jnp.ones((K, D), jnp.float32)
    zerosD = jnp.zeros((RPT, D), jnp.float32)

    deg_parts = _sc_degree(dst, onesD, zerosD)
    h1 = _tc_mm(xp, W1)
    dinv, g1 = _tc_scale(h1, deg_parts[:RP], deg_parts[RP:])
    p1 = _sc_aggregate(g1, src, dst, zerosD)
    g2 = _tc_layer(g1, p1[:RP], p1[RP:], dinv, b1.reshape(1, D), W2)
    p2 = _sc_aggregate(g2, src, dst, zerosD)
    out = _tc_final(g2, p2[:RP], p2[RP:], dinv, b2.reshape(1, D),
                    Wo.reshape(1, D), bo.reshape(1, 1))
    return out[:N]

# --- scband reference (transcript-rebuilt; emitter-appended) ---
"""Pipeline reference for scband-gcnmodel-8589934592403 (READ-ONLY COPY).

The authoritative reference and input builder live on the scoring server;
editing this copy changes nothing except your own understanding.
"""

import jax, jax.numpy as jnp
import numpy as np

N_NODES = 10000
N_EDGES = 320000
D_IN = 128
D_HID = 128
D_OUT = 1


def gcn_conv(x, edge_index, W, b, num_nodes):
    # PyG GCNConv: add self-loops, linear transform, symmetric normalization, scatter-add
    src = edge_index[0]
    dst = edge_index[1]
    loop = jnp.arange(num_nodes, dtype=edge_index.dtype)
    src = jnp.concatenate([src, loop])
    dst = jnp.concatenate([dst, loop])
    h = x @ W
    deg = jnp.zeros((num_nodes,), dtype=h.dtype).at[dst].add(1.0)
    deg_inv_sqrt = jnp.where(deg > 0, 1.0 / jnp.sqrt(jnp.where(deg > 0, deg, 1.0)), 0.0)
    norm = deg_inv_sqrt[src] * deg_inv_sqrt[dst]
    msg = h[src] * norm[:, None]
    out = jnp.zeros((num_nodes, h.shape[1]), dtype=h.dtype).at[dst].add(msg)
    return out + b


def setup_inputs(seed: int = 0) -> dict:
    key = jax.random.key(seed)
    k1, k2, k3, k4, k5 = jax.random.split(key, 5)
    x = jax.random.normal(k1, (N_NODES, D_IN), dtype=jnp.float32)
    edge_index = jax.random.randint(k2, (2, N_EDGES), 0, N_NODES, dtype=jnp.int64)
    W1 = jax.random.normal(k3, (D_IN, D_HID), dtype=jnp.float32) * (1.0 / np.sqrt(D_IN))
    b1 = jnp.zeros((D_HID,), dtype=jnp.float32)
    W2 = jax.random.normal(k4, (D_HID, D_HID), dtype=jnp.float32) * (1.0 / np.sqrt(D_HID))
    b2 = jnp.zeros((D_HID,), dtype=jnp.float32)
    Wo = jax.random.normal(k5, (D_HID, D_OUT), dtype=jnp.float32) * (1.0 / np.sqrt(D_HID))
    bo = jnp.zeros((D_OUT,), dtype=jnp.float32)
    return {"x": x, "edge_index": edge_index, "W1": W1, "b1": b1, "W2": W2, "b2": b2, "Wo": Wo, "bo": bo}


def reference(x, edge_index, W1, b1, W2, b2, Wo, bo):
    h = jax.nn.relu(gcn_conv(x, edge_index, W1, b1, N_NODES))
    h = jax.nn.relu(gcn_conv(h, edge_index, W2, b2, N_NODES))
    out = h @ Wo + bo
    return out

if __name__ == "__main__":
    import jax
    _d = setup_inputs()
    print(jax.jit(kernel)(*tuple(_d.values())))

</pallas_src>

<mosaic_0001>
#map = affine_map<(d0, d1) -> (0)>
#map1 = affine_map<(d0, d1) -> (0, 0)>
module attributes {stable_mosaic.version = 14 : i64} {
  func.func @_sc_degree(%arg0: i32, %arg1: i32, %arg2: memref<320000xi32, #tpu.memory_space<hbm>>, %arg3: memref<80x128xf32, #tpu.memory_space<hbm>>, %arg4: memref<640x128xf32, #tpu.memory_space<hbm>>, %arg5: memref<20480x128xf32, #tpu.memory_space<hbm>>, %arg6: memref<80xi32, #tpu.memory_space<vmem>>, %arg7: memref<80x128xf32, #tpu.memory_space<vmem>>, %arg8: memref<10240x128xf32, #tpu.memory_space<vmem_shared>>) attributes {dimension_semantics = [#tpu.dimension_semantics<core_parallel>, #tpu.dimension_semantics<subcore_parallel>], iteration_bounds = array<i64: 2, 16>, scalar_prefetch = 0 : i64, scratch_operands = 3 : i64, tpu.core_type = #tpu.core_type<sc_vector_subcore>, window_params = [{transform_indices = #map}, {transform_indices = #map1}, {transform_indices = #map1}, {transform_indices = #map1}]} {
    %mul3A = arith.constant 16 : i32
    %mul3A_0 = arith.muli %arg0, %mul3A : i32
    %add3A = arith.addi %mul3A_0, %arg1 : i32
    %mul3A_1 = arith.constant 640 : i32
    %mul3A_2 = arith.muli %arg1, %mul3A_1 : i32
    "tpu.region"() ({
      %run_scoped3A = tpu.sem_alloc : memref<!tpu.dma_semaphore, #tpu.memory_space<semaphore_mem>>
      %dma_start3A = arith.constant 0 : i32
      %dma_start3A_17 = tpu.memref_slice %arg8[%mul3A_2, %dma_start3A] : memref<10240x128xf32, #tpu.memory_space<vmem_shared>> -> memref<640x128xf32, #tpu.memory_space<vmem_shared>>
      tpu.enqueue_dma source(%arg4 : memref<640x128xf32, #tpu.memory_space<hbm>>) target(%dma_start3A_17 : memref<640x128xf32, #tpu.memory_space<vmem_shared>>) target_semaphore(%run_scoped3A : memref<!tpu.dma_semaphore, #tpu.memory_space<semaphore_mem>>)
      %dma_wait3A = arith.constant 0 : i32
      %dma_wait3A_18 = tpu.memref_slice %arg8[%mul3A_2, %dma_wait3A] : memref<10240x128xf32, #tpu.memory_space<vmem_shared>> -> memref<640x128xf32, #tpu.memory_space<vmem_shared>>
      tpu.wait_dma2 semaphore(%run_scoped3A : memref<!tpu.dma_semaphore, #tpu.memory_space<semaphore_mem>>) src(%arg4 : memref<640x128xf32, #tpu.memory_space<hbm>>) dst(%dma_wait3A_18 : memref<640x128xf32, #tpu.memory_space<vmem_shared>>)
      tpu.yield
    }) : () -> ()
    "tpu.region"() ({
      %run_scoped3A = tpu.sem_alloc : memref<!tpu.dma_semaphore, #tpu.memory_space<semaphore_mem>>
      tpu.enqueue_dma source(%arg3 : memref<80x128xf32, #tpu.memory_space<hbm>>) target(%arg7 : memref<80x128xf32, #tpu.memory_space<vmem>>) target_semaphore(%run_scoped3A : memref<!tpu.dma_semaphore, #tpu.memory_space<semaphore_mem>>)
      tpu.wait_dma2 semaphore(%run_scoped3A : memref<!tpu.dma_semaphore, #tpu.memory_space<semaphore_mem>>) src(%arg3 : memref<80x128xf32, #tpu.memory_space<hbm>>) dst(%arg7 : memref<80x128xf32, #tpu.memory_space<vmem>>)
      tpu.yield
    }) : () -> ()
    %barrier3A = arith.constant 0 : index
    tpu.barrier barrier_id(%barrier3A)
    %mul3A_3 = arith.constant 10000 : i32
    %mul3A_4 = arith.muli %add3A, %mul3A_3 : i32
    %scan3A = arith.constant 0 : i32
    %scan3A_5 = arith.constant 125 : i32
    %scan3A_6 = arith.addi %scan3A, %scan3A_5 : i32
    %scan3A_7 = arith.constant 1 : i32
    scf.for %scan3A_17 = %scan3A to %scan3A_6 step %scan3A_7  : i32 {
      %mul3A_18 = arith.constant 1 : i32
      %mul3A_19 = arith.muli %scan3A_17, %mul3A_18 : i32
      %add3A_20 = arith.constant 0 : i32
      %add3A_21 = arith.addi %add3A_20, %mul3A_19 : i32
      %mul3A_22 = arith.constant 80 : i32
      %mul3A_23 = arith.muli %add3A_21, %mul3A_22 : i32
      %add3A_24 = arith.addi %mul3A_4, %mul3A_23 : i32
      "tpu.region"() ({
        %run_scoped3A = tpu.sem_alloc : memref<!tpu.dma_semaphore, #tpu.memory_space<semaphore_mem>>
        %dma_start3A = tpu.memref_slice %arg2[%add3A_24] : memref<320000xi32, #tpu.memory_space<hbm>> -> memref<80xi32, #tpu.memory_space<hbm>>
        %dma_start3A_25 = tpu.memref_slice %arg2[%add3A_24] : memref<320000xi32, #tpu.memory_space<hbm>> -> memref<80xi32, #tpu.memory_space<hbm>>
        tpu.enqueue_dma source(%dma_start3A_25 : memref<80xi32, #tpu.memory_space<hbm>>) target(%arg6 : memref<80xi32, #tpu.memory_space<vmem>>) target_semaphore(%run_scoped3A : memref<!tpu.dma_semaphore, #tpu.memory_space<semaphore_mem>>)
        %dma_wait3A = tpu.memref_slice %arg2[%add3A_24] : memref<320000xi32, #tpu.memory_space<hbm>> -> memref<80xi32, #tpu.memory_space<hbm>>
        %dma_wait3A_26 = tpu.memref_slice %arg2[%add3A_24] : memref<320000xi32, #tpu.memory_space<hbm>> -> memref<80xi32, #tpu.memory_space<hbm>>
        tpu.wait_dma2 semaphore(%run_scoped3A : memref<!tpu.dma_semaphore, #tpu.memory_space<semaphore_mem>>) src(%dma_wait3A_26 : memref<80xi32, #tpu.memory_space<hbm>>) dst(%arg6 : memref<80xi32, #tpu.memory_space<vmem>>)
        tpu.yield
      }) : () -> ()
      "tpu.region"() ({
        %run_scoped3A = tpu.sem_alloc : memref<!tpu.dma_semaphore, #tpu.memory_space<semaphore_mem>>
        %dma_start3A = arith.constant 0 : i32
        %dma_start3A_25 = arith.constant 0 : i32
        %dma_start3A_26 = tpu.memref_slice %arg8[%dma_start3A, %dma_start3A_25] : memref<10240x128xf32, #tpu.memory_space<vmem_shared>> -> memref<10240x128xf32, #tpu.memory_space<vmem_shared>>
        tpu.enqueue_indirect_dma source(%arg7 : memref<80x128xf32, #tpu.memory_space<vmem>>) target(%dma_start3A_26 : memref<10240x128xf32, #tpu.memory_space<vmem_shared>>) offsets(%arg6 : memref<80xi32, #tpu.memory_space<vmem>>) semaphore(%run_scoped3A : memref<!tpu.dma_semaphore, #tpu.memory_space<semaphore_mem>>) {add = true}
        %dma_wait3A = arith.constant 0 : i32
        %dma_wait3A_27 = arith.constant 0 : i32
        %dma_wait3A_28 = tpu.memref_slice %arg8[%dma_wait3A, %dma_wait3A_27] : memref<10240x128xf32, #tpu.memory_space<vmem_shared>> -> memref<10240x128xf32, #tpu.memory_space<vmem_shared>>
        tpu.wait_indirect_dma semaphore(%run_scoped3A : memref<!tpu.dma_semaphore, #tpu.memory_space<semaphore_mem>>) src(%arg7 : memref<80x128xf32, #tpu.memory_space<vmem>>) dst(%dma_wait3A_28 : memref<10240x128xf32, #tpu.memory_space<vmem_shared>>)
        tpu.yield
      }) : () -> ()
    }
    %scan3A_8 = arith.constant 125 : i32
    %barrier3A_9 = arith.constant 0 : index
    tpu.barrier barrier_id(%barrier3A_9)
    %mul3A_10 = arith.constant 640 : i32
    %mul3A_11 = arith.muli %arg1, %mul3A_10 : i32
    %mul3A_12 = arith.constant 10240 : i32
    %mul3A_13 = arith.muli %arg0, %mul3A_12 : i32
    %mul3A_14 = arith.constant 640 : i32
    %mul3A_15 = arith.muli %arg1, %mul3A_14 : i32
    %add3A_16 = arith.addi %mul3A_13, %mul3A_15 : i32
    "tpu.region"() ({
      %run_scoped3A = tpu.sem_alloc : memref<!tpu.dma_semaphore, #tpu.memory_space<semaphore_mem>>
      %dma_start3A = arith.constant 0 : i32
      %dma_start3A_17 = tpu.memref_slice %arg5[%add3A_16, %dma_start3A] : memref<20480x128xf32, #tpu.memory_space<hbm>> -> memref<640x128xf32, #tpu.memory_space<hbm>>
      %dma_start3A_18 = arith.constant 0 : i32
      %dma_start3A_19 = tpu.memref_slice %arg8[%mul3A_11, %dma_start3A_18] : memref<10240x128xf32, #tpu.memory_space<vmem_shared>> -> memref<640x128xf32, #tpu.memory_space<vmem_shared>>
      tpu.enqueue_dma source(%dma_start3A_19 : memref<640x128xf32, #tpu.memory_space<vmem_shared>>) target(%dma_start3A_17 : memref<640x128xf32, #tpu.memory_space<hbm>>) target_semaphore(%run_scoped3A : memref<!tpu.dma_semaphore, #tpu.memory_space<semaphore_mem>>)
      %dma_wait3A = arith.constant 0 : i32
      %dma_wait3A_20 = tpu.memref_slice %arg5[%add3A_16, %dma_wait3A] : memref<20480x128xf32, #tpu.memory_space<hbm>> -> memref<640x128xf32, #tpu.memory_space<hbm>>
      %dma_wait3A_21 = arith.constant 0 : i32
      %dma_wait3A_22 = tpu.memref_slice %arg8[%mul3A_11, %dma_wait3A_21] : memref<10240x128xf32, #tpu.memory_space<vmem_shared>> -> memref<640x128xf32, #tpu.memory_space<vmem_shared>>
      tpu.wait_dma2 semaphore(%run_scoped3A : memref<!tpu.dma_semaphore, #tpu.memory_space<semaphore_mem>>) src(%dma_wait3A_22 : memref<640x128xf32, #tpu.memory_space<vmem_shared>>) dst(%dma_wait3A_20 : memref<640x128xf32, #tpu.memory_space<hbm>>)
      tpu.yield
    }) : () -> ()
    return
  }
}

#map = affine_map<(d0, d1) -> (0, 0)>
#map1 = affine_map<(d0, d1) -> (0)>
module attributes {stable_mosaic.version = 14 : i64} {
  func.func @_sc_aggregate(%arg0: i32, %arg1: i32, %arg2: memref<10240x128xf32, #tpu.memory_space<hbm>>, %arg3: memref<320000xi32, #tpu.memory_space<hbm>>, %arg4: memref<320000xi32, #tpu.memory_space<hbm>>, %arg5: memref<640x128xf32, #tpu.memory_space<hbm>>, %arg6: memref<20480x128xf32, #tpu.memory_space<hbm>>, %arg7: memref<80xi32, #tpu.memory_space<vmem>>, %arg8: memref<80xi32, #tpu.memory_space<vmem>>, %arg9: memref<80x128xf32, #tpu.memory_space<vmem>>, %arg10: memref<10240x128xf32, #tpu.memory_space<vmem_shared>>, %arg11: memref<!tpu.dma_semaphore, #tpu.memory_space<semaphore_mem>>) attributes {dimension_semantics = [#tpu.dimension_semantics<core_parallel>, #tpu.dimension_semantics<subcore_parallel>], iteration_bounds = array<i64: 2, 16>, scalar_prefetch = 0 : i64, scratch_operands = 5 : i64, tpu.core_type = #tpu.core_type<sc_vector_subcore>, window_params = [{transform_indices = #map}, {transform_indices = #map1}, {transform_indices = #map1}, {transform_indices = #map}, {transform_indices = #map}]} {
    %mul3A = arith.constant 16 : i32
    %mul3A_0 = arith.muli %arg0, %mul3A : i32
    %add3A = arith.addi %mul3A_0, %arg1 : i32
    %mul3A_1 = arith.constant 640 : i32
    %mul3A_2 = arith.muli %arg1, %mul3A_1 : i32
    "tpu.region"() ({
      %run_scoped3A = tpu.sem_alloc : memref<!tpu.dma_semaphore, #tpu.memory_space<semaphore_mem>>
      %dma_start3A = arith.constant 0 : i32
      %dma_start3A_17 = tpu.memref_slice %arg10[%mul3A_2, %dma_start3A] : memref<10240x128xf32, #tpu.memory_space<vmem_shared>> -> memref<640x128xf32, #tpu.memory_space<vmem_shared>>
      tpu.enqueue_dma source(%arg5 : memref<640x128xf32, #tpu.memory_space<hbm>>) target(%dma_start3A_17 : memref<640x128xf32, #tpu.memory_space<vmem_shared>>) target_semaphore(%run_scoped3A : memref<!tpu.dma_semaphore, #tpu.memory_space<semaphore_mem>>)
      %dma_wait3A = arith.constant 0 : i32
      %dma_wait3A_18 = tpu.memref_slice %arg10[%mul3A_2, %dma_wait3A] : memref<10240x128xf32, #tpu.memory_space<vmem_shared>> -> memref<640x128xf32, #tpu.memory_space<vmem_shared>>
      tpu.wait_dma2 semaphore(%run_scoped3A : memref<!tpu.dma_semaphore, #tpu.memory_space<semaphore_mem>>) src(%arg5 : memref<640x128xf32, #tpu.memory_space<hbm>>) dst(%dma_wait3A_18 : memref<640x128xf32, #tpu.memory_space<vmem_shared>>)
      tpu.yield
    }) : () -> ()
    %barrier3A = arith.constant 0 : index
    tpu.barrier barrier_id(%barrier3A)
    %mul3A_3 = arith.constant 10000 : i32
    %mul3A_4 = arith.muli %add3A, %mul3A_3 : i32
    %scan3A = arith.constant 0 : i32
    %scan3A_5 = arith.constant 125 : i32
    %scan3A_6 = arith.addi %scan3A, %scan3A_5 : i32
    %scan3A_7 = arith.constant 1 : i32
    scf.for %scan3A_17 = %scan3A to %scan3A_6 step %scan3A_7  : i32 {
      %mul3A_18 = arith.constant 1 : i32
      %mul3A_19 = arith.muli %scan3A_17, %mul3A_18 : i32
      %add3A_20 = arith.constant 0 : i32
      %add3A_21 = arith.addi %add3A_20, %mul3A_19 : i32
      %mul3A_22 = arith.constant 80 : i32
      %mul3A_23 = arith.muli %add3A_21, %mul3A_22 : i32
      %add3A_24 = arith.addi %mul3A_4, %mul3A_23 : i32
      "tpu.region"() ({
        %run_scoped3A = tpu.sem_alloc : memref<!tpu.dma_semaphore, #tpu.memory_space<semaphore_mem>>
        %dma_start3A_29 = tpu.memref_slice %arg3[%add3A_24] : memref<320000xi32, #tpu.memory_space<hbm>> -> memref<80xi32, #tpu.memory_space<hbm>>
        %dma_start3A_30 = tpu.memref_slice %arg3[%add3A_24] : memref<320000xi32, #tpu.memory_space<hbm>> -> memref<80xi32, #tpu.memory_space<hbm>>
        tpu.enqueue_dma source(%dma_start3A_30 : memref<80xi32, #tpu.memory_space<hbm>>) target(%arg7 : memref<80xi32, #tpu.memory_space<vmem>>) target_semaphore(%run_scoped3A : memref<!tpu.dma_semaphore, #tpu.memory_space<semaphore_mem>>)
        %dma_wait3A_31 = tpu.memref_slice %arg3[%add3A_24] : memref<320000xi32, #tpu.memory_space<hbm>> -> memref<80xi32, #tpu.memory_space<hbm>>
        %dma_wait3A_32 = tpu.memref_slice %arg3[%add3A_24] : memref<320000xi32, #tpu.memory_space<hbm>> -> memref<80xi32, #tpu.memory_space<hbm>>
        tpu.wait_dma2 semaphore(%run_scoped3A : memref<!tpu.dma_semaphore, #tpu.memory_space<semaphore_mem>>) src(%dma_wait3A_32 : memref<80xi32, #tpu.memory_space<hbm>>) dst(%arg7 : memref<80xi32, #tpu.memory_space<vmem>>)
        tpu.yield
      }) : () -> ()
      "tpu.region"() ({
        %run_scoped3A = tpu.sem_alloc : memref<!tpu.dma_semaphore, #tpu.memory_space<semaphore_mem>>
        %dma_start3A_29 = tpu.memref_slice %arg4[%add3A_24] : memref<320000xi32, #tpu.memory_space<hbm>> -> memref<80xi32, #tpu.memory_space<hbm>>
        %dma_start3A_30 = tpu.memref_slice %arg4[%add3A_24] : memref<320000xi32, #tpu.memory_space<hbm>> -> memref<80xi32, #tpu.memory_space<hbm>>
        tpu.enqueue_dma source(%dma_start3A_30 : memref<80xi32, #tpu.memory_space<hbm>>) target(%arg8 : memref<80xi32, #tpu.memory_space<vmem>>) target_semaphore(%run_scoped3A : memref<!tpu.dma_semaphore, #tpu.memory_space<semaphore_mem>>)
        %dma_wait3A_31 = tpu.memref_slice %arg4[%add3A_24] : memref<320000xi32, #tpu.memory_space<hbm>> -> memref<80xi32, #tpu.memory_space<hbm>>
        %dma_wait3A_32 = tpu.memref_slice %arg4[%add3A_24] : memref<320000xi32, #tpu.memory_space<hbm>> -> memref<80xi32, #tpu.memory_space<hbm>>
        tpu.wait_dma2 semaphore(%run_scoped3A : memref<!tpu.dma_semaphore, #tpu.memory_space<semaphore_mem>>) src(%dma_wait3A_32 : memref<80xi32, #tpu.memory_space<hbm>>) dst(%arg8 : memref<80xi32, #tpu.memory_space<vmem>>)
        tpu.yield
      }) : () -> ()
      %dma_start3A = arith.constant 0 : i32
      %dma_start3A_25 = arith.constant 0 : i32
      %dma_start3A_26 = tpu.memref_slice %arg2[%dma_start3A, %dma_start3A_25] : memref<10240x128xf32, #tpu.memory_space<hbm>> -> memref<10240x128xf32, #tpu.memory_space<hbm>>
      tpu.enqueue_indirect_dma source(%dma_start3A_26 : memref<10240x128xf32, #tpu.memory_space<hbm>>) target(%arg9 : memref<80x128xf32, #tpu.memory_space<vmem>>) offsets(%arg7 : memref<80xi32, #tpu.memory_space<vmem>>) semaphore(%arg11 : memref<!tpu.dma_semaphore, #tpu.memory_space<semaphore_mem>>)
      %dma_wait3A = arith.constant 0 : i32
      %dma_wait3A_27 = arith.constant 0 : i32
      %dma_wait3A_28 = tpu.memref_slice %arg2[%dma_wait3A, %dma_wait3A_27] : memref<10240x128xf32, #tpu.memory_space<hbm>> -> memref<10240x128xf32, #tpu.memory_space<hbm>>
      tpu.wait_indirect_dma semaphore(%arg11 : memref<!tpu.dma_semaphore, #tpu.memory_space<semaphore_mem>>) src(%dma_wait3A_28 : memref<10240x128xf32, #tpu.memory_space<hbm>>) dst(%arg9 : memref<80x128xf32, #tpu.memory_space<vmem>>)
      "tpu.region"() ({
        %run_scoped3A = tpu.sem_alloc : memref<!tpu.dma_semaphore, #tpu.memory_space<semaphore_mem>>
        %dma_start3A_29 = arith.constant 0 : i32
        %dma_start3A_30 = arith.constant 0 : i32
        %dma_start3A_31 = tpu.memref_slice %arg10[%dma_start3A_29, %dma_start3A_30] : memref<10240x128xf32, #tpu.memory_space<vmem_shared>> -> memref<10240x128xf32, #tpu.memory_space<vmem_shared>>
        tpu.enqueue_indirect_dma source(%arg9 : memref<80x128xf32, #tpu.memory_space<vmem>>) target(%dma_start3A_31 : memref<10240x128xf32, #tpu.memory_space<vmem_shared>>) offsets(%arg8 : memref<80xi32, #tpu.memory_space<vmem>>) semaphore(%run_scoped3A : memref<!tpu.dma_semaphore, #tpu.memory_space<semaphore_mem>>) {add = true}
        %dma_wait3A_32 = arith.constant 0 : i32
        %dma_wait3A_33 = arith.constant 0 : i32
        %dma_wait3A_34 = tpu.memref_slice %arg10[%dma_wait3A_32, %dma_wait3A_33] : memref<10240x128xf32, #tpu.memory_space<vmem_shared>> -> memref<10240x128xf32, #tpu.memory_space<vmem_shared>>
        tpu.wait_indirect_dma semaphore(%run_scoped3A : memref<!tpu.dma_semaphore, #tpu.memory_space<semaphore_mem>>) src(%arg9 : memref<80x128xf32, #tpu.memory_space<vmem>>) dst(%dma_wait3A_34 : memref<10240x128xf32, #tpu.memory_space<vmem_shared>>)
        tpu.yield
      }) : () -> ()
    }
    %scan3A_8 = arith.constant 125 : i32
    %barrier3A_9 = arith.constant 0 : index
    tpu.barrier barrier_id(%barrier3A_9)
    %mul3A_10 = arith.constant 640 : i32
    %mul3A_11 = arith.muli %arg1, %mul3A_10 : i32
    %mul3A_12 = arith.constant 10240 : i32
    %mul3A_13 = arith.muli %arg0, %mul3A_12 : i32
    %mul3A_14 = arith.constant 640 : i32
    %mul3A_15 = arith.muli %arg1, %mul3A_14 : i32
    %add3A_16 = arith.addi %mul3A_13, %mul3A_15 : i32
    "tpu.region"() ({
      %run_scoped3A = tpu.sem_alloc : memref<!tpu.dma_semaphore, #tpu.memory_space<semaphore_mem>>
      %dma_start3A = arith.constant 0 : i32
      %dma_start3A_17 = tpu.memref_slice %arg6[%add3A_16, %dma_start3A] : memref<20480x128xf32, #tpu.memory_space<hbm>> -> memref<640x128xf32, #tpu.memory_space<hbm>>
      %dma_start3A_18 = arith.constant 0 : i32
      %dma_start3A_19 = tpu.memref_slice %arg10[%mul3A_11, %dma_start3A_18] : memref<10240x128xf32, #tpu.memory_space<vmem_shared>> -> memref<640x128xf32, #tpu.memory_space<vmem_shared>>
      tpu.enqueue_dma source(%dma_start3A_19 : memref<640x128xf32, #tpu.memory_space<vmem_shared>>) target(%dma_start3A_17 : memref<640x128xf32, #tpu.memory_space<hbm>>) target_semaphore(%run_scoped3A : memref<!tpu.dma_semaphore, #tpu.memory_space<semaphore_mem>>)
      %dma_wait3A = arith.constant 0 : i32
      %dma_wait3A_20 = tpu.memref_slice %arg6[%add3A_16, %dma_wait3A] : memref<20480x128xf32, #tpu.memory_space<hbm>> -> memref<640x128xf32, #tpu.memory_space<hbm>>
      %dma_wait3A_21 = arith.constant 0 : i32
      %dma_wait3A_22 = tpu.memref_slice %arg10[%mul3A_11, %dma_wait3A_21] : memref<10240x128xf32, #tpu.memory_space<vmem_shared>> -> memref<640x128xf32, #tpu.memory_space<vmem_shared>>
      tpu.wait_dma2 semaphore(%run_scoped3A : memref<!tpu.dma_semaphore, #tpu.memory_space<semaphore_mem>>) src(%dma_wait3A_22 : memref<640x128xf32, #tpu.memory_space<vmem_shared>>) dst(%dma_wait3A_20 : memref<640x128xf32, #tpu.memory_space<hbm>>)
      tpu.yield
    }) : () -> ()
    return
  }
}

#map = affine_map<(d0, d1) -> (0, 0)>
#map1 = affine_map<(d0, d1) -> (0)>
module attributes {stable_mosaic.version = 14 : i64} {
  func.func @_sc_aggregate(%arg0: i32, %arg1: i32, %arg2: memref<10240x128xf32, #tpu.memory_space<hbm>>, %arg3: memref<320000xi32, #tpu.memory_space<hbm>>, %arg4: memref<320000xi32, #tpu.memory_space<hbm>>, %arg5: memref<640x128xf32, #tpu.memory_space<hbm>>, %arg6: memref<20480x128xf32, #tpu.memory_space<hbm>>, %arg7: memref<80xi32, #tpu.memory_space<vmem>>, %arg8: memref<80xi32, #tpu.memory_space<vmem>>, %arg9: memref<80x128xf32, #tpu.memory_space<vmem>>, %arg10: memref<10240x128xf32, #tpu.memory_space<vmem_shared>>, %arg11: memref<!tpu.dma_semaphore, #tpu.memory_space<semaphore_mem>>) attributes {dimension_semantics = [#tpu.dimension_semantics<core_parallel>, #tpu.dimension_semantics<subcore_parallel>], iteration_bounds = array<i64: 2, 16>, scalar_prefetch = 0 : i64, scratch_operands = 5 : i64, tpu.core_type = #tpu.core_type<sc_vector_subcore>, window_params = [{transform_indices = #map}, {transform_indices = #map1}, {transform_indices = #map1}, {transform_indices = #map}, {transform_indices = #map}]} {
    %mul3A = arith.constant 16 : i32
    %mul3A_0 = arith.muli %arg0, %mul3A : i32
    %add3A = arith.addi %mul3A_0, %arg1 : i32
    %mul3A_1 = arith.constant 640 : i32
    %mul3A_2 = arith.muli %arg1, %mul3A_1 : i32
    "tpu.region"() ({
      %run_scoped3A = tpu.sem_alloc : memref<!tpu.dma_semaphore, #tpu.memory_space<semaphore_mem>>
      %dma_start3A = arith.constant 0 : i32
      %dma_start3A_17 = tpu.memref_slice %arg10[%mul3A_2, %dma_start3A] : memref<10240x128xf32, #tpu.memory_space<vmem_shared>> -> memref<640x128xf32, #tpu.memory_space<vmem_shared>>
      tpu.enqueue_dma source(%arg5 : memref<640x128xf32, #tpu.memory_space<hbm>>) target(%dma_start3A_17 : memref<640x128xf32, #tpu.memory_space<vmem_shared>>) target_semaphore(%run_scoped3A : memref<!tpu.dma_semaphore, #tpu.memory_space<semaphore_mem>>)
      %dma_wait3A = arith.constant 0 : i32
      %dma_wait3A_18 = tpu.memref_slice %arg10[%mul3A_2, %dma_wait3A] : memref<10240x128xf32, #tpu.memory_space<vmem_shared>> -> memref<640x128xf32, #tpu.memory_space<vmem_shared>>
      tpu.wait_dma2 semaphore(%run_scoped3A : memref<!tpu.dma_semaphore, #tpu.memory_space<semaphore_mem>>) src(%arg5 : memref<640x128xf32, #tpu.memory_space<hbm>>) dst(%dma_wait3A_18 : memref<640x128xf32, #tpu.memory_space<vmem_shared>>)
      tpu.yield
    }) : () -> ()
    %barrier3A = arith.constant 0 : index
    tpu.barrier barrier_id(%barrier3A)
    %mul3A_3 = arith.constant 10000 : i32
    %mul3A_4 = arith.muli %add3A, %mul3A_3 : i32
    %scan3A = arith.constant 0 : i32
    %scan3A_5 = arith.constant 125 : i32
    %scan3A_6 = arith.addi %scan3A, %scan3A_5 : i32
    %scan3A_7 = arith.constant 1 : i32
    scf.for %scan3A_17 = %scan3A to %scan3A_6 step %scan3A_7  : i32 {
      %mul3A_18 = arith.constant 1 : i32
      %mul3A_19 = arith.muli %scan3A_17, %mul3A_18 : i32
      %add3A_20 = arith.constant 0 : i32
      %add3A_21 = arith.addi %add3A_20, %mul3A_19 : i32
      %mul3A_22 = arith.constant 80 : i32
      %mul3A_23 = arith.muli %add3A_21, %mul3A_22 : i32
      %add3A_24 = arith.addi %mul3A_4, %mul3A_23 : i32
      "tpu.region"() ({
        %run_scoped3A = tpu.sem_alloc : memref<!tpu.dma_semaphore, #tpu.memory_space<semaphore_mem>>
        %dma_start3A_29 = tpu.memref_slice %arg3[%add3A_24] : memref<320000xi32, #tpu.memory_space<hbm>> -> memref<80xi32, #tpu.memory_space<hbm>>
        %dma_start3A_30 = tpu.memref_slice %arg3[%add3A_24] : memref<320000xi32, #tpu.memory_space<hbm>> -> memref<80xi32, #tpu.memory_space<hbm>>
        tpu.enqueue_dma source(%dma_start3A_30 : memref<80xi32, #tpu.memory_space<hbm>>) target(%arg7 : memref<80xi32, #tpu.memory_space<vmem>>) target_semaphore(%run_scoped3A : memref<!tpu.dma_semaphore, #tpu.memory_space<semaphore_mem>>)
        %dma_wait3A_31 = tpu.memref_slice %arg3[%add3A_24] : memref<320000xi32, #tpu.memory_space<hbm>> -> memref<80xi32, #tpu.memory_space<hbm>>
        %dma_wait3A_32 = tpu.memref_slice %arg3[%add3A_24] : memref<320000xi32, #tpu.memory_space<hbm>> -> memref<80xi32, #tpu.memory_space<hbm>>
        tpu.wait_dma2 semaphore(%run_scoped3A : memref<!tpu.dma_semaphore, #tpu.memory_space<semaphore_mem>>) src(%dma_wait3A_32 : memref<80xi32, #tpu.memory_space<hbm>>) dst(%arg7 : memref<80xi32, #tpu.memory_space<vmem>>)
        tpu.yield
      }) : () -> ()
      "tpu.region"() ({
        %run_scoped3A = tpu.sem_alloc : memref<!tpu.dma_semaphore, #tpu.memory_space<semaphore_mem>>
        %dma_start3A_29 = tpu.memref_slice %arg4[%add3A_24] : memref<320000xi32, #tpu.memory_space<hbm>> -> memref<80xi32, #tpu.memory_space<hbm>>
        %dma_start3A_30 = tpu.memref_slice %arg4[%add3A_24] : memref<320000xi32, #tpu.memory_space<hbm>> -> memref<80xi32, #tpu.memory_space<hbm>>
        tpu.enqueue_dma source(%dma_start3A_30 : memref<80xi32, #tpu.memory_space<hbm>>) target(%arg8 : memref<80xi32, #tpu.memory_space<vmem>>) target_semaphore(%run_scoped3A : memref<!tpu.dma_semaphore, #tpu.memory_space<semaphore_mem>>)
        %dma_wait3A_31 = tpu.memref_slice %arg4[%add3A_24] : memref<320000xi32, #tpu.memory_space<hbm>> -> memref<80xi32, #tpu.memory_space<hbm>>
        %dma_wait3A_32 = tpu.memref_slice %arg4[%add3A_24] : memref<320000xi32, #tpu.memory_space<hbm>> -> memref<80xi32, #tpu.memory_space<hbm>>
        tpu.wait_dma2 semaphore(%run_scoped3A : memref<!tpu.dma_semaphore, #tpu.memory_space<semaphore_mem>>) src(%dma_wait3A_32 : memref<80xi32, #tpu.memory_space<hbm>>) dst(%arg8 : memref<80xi32, #tpu.memory_space<vmem>>)
        tpu.yield
      }) : () -> ()
      %dma_start3A = arith.constant 0 : i32
      %dma_start3A_25 = arith.constant 0 : i32
      %dma_start3A_26 = tpu.memref_slice %arg2[%dma_start3A, %dma_start3A_25] : memref<10240x128xf32, #tpu.memory_space<hbm>> -> memref<10240x128xf32, #tpu.memory_space<hbm>>
      tpu.enqueue_indirect_dma source(%dma_start3A_26 : memref<10240x128xf32, #tpu.memory_space<hbm>>) target(%arg9 : memref<80x128xf32, #tpu.memory_space<vmem>>) offsets(%arg7 : memref<80xi32, #tpu.memory_space<vmem>>) semaphore(%arg11 : memref<!tpu.dma_semaphore, #tpu.memory_space<semaphore_mem>>)
      %dma_wait3A = arith.constant 0 : i32
      %dma_wait3A_27 = arith.constant 0 : i32
      %dma_wait3A_28 = tpu.memref_slice %arg2[%dma_wait3A, %dma_wait3A_27] : memref<10240x128xf32, #tpu.memory_space<hbm>> -> memref<10240x128xf32, #tpu.memory_space<hbm>>
      tpu.wait_indirect_dma semaphore(%arg11 : memref<!tpu.dma_semaphore, #tpu.memory_space<semaphore_mem>>) src(%dma_wait3A_28 : memref<10240x128xf32, #tpu.memory_space<hbm>>) dst(%arg9 : memref<80x128xf32, #tpu.memory_space<vmem>>)
      "tpu.region"() ({
        %run_scoped3A = tpu.sem_alloc : memref<!tpu.dma_semaphore, #tpu.memory_space<semaphore_mem>>
        %dma_start3A_29 = arith.constant 0 : i32
        %dma_start3A_30 = arith.constant 0 : i32
        %dma_start3A_31 = tpu.memref_slice %arg10[%dma_start3A_29, %dma_start3A_30] : memref<10240x128xf32, #tpu.memory_space<vmem_shared>> -> memref<10240x128xf32, #tpu.memory_space<vmem_shared>>
        tpu.enqueue_indirect_dma source(%arg9 : memref<80x128xf32, #tpu.memory_space<vmem>>) target(%dma_start3A_31 : memref<10240x128xf32, #tpu.memory_space<vmem_shared>>) offsets(%arg8 : memref<80xi32, #tpu.memory_space<vmem>>) semaphore(%run_scoped3A : memref<!tpu.dma_semaphore, #tpu.memory_space<semaphore_mem>>) {add = true}
        %dma_wait3A_32 = arith.constant 0 : i32
        %dma_wait3A_33 = arith.constant 0 : i32
        %dma_wait3A_34 = tpu.memref_slice %arg10[%dma_wait3A_32, %dma_wait3A_33] : memref<10240x128xf32, #tpu.memory_space<vmem_shared>> -> memref<10240x128xf32, #tpu.memory_space<vmem_shared>>
        tpu.wait_indirect_dma semaphore(%run_scoped3A : memref<!tpu.dma_semaphore, #tpu.memory_space<semaphore_mem>>) src(%arg9 : memref<80x128xf32, #tpu.memory_space<vmem>>) dst(%dma_wait3A_34 : memref<10240x128xf32, #tpu.memory_space<vmem_shared>>)
        tpu.yield
      }) : () -> ()
    }
    %scan3A_8 = arith.constant 125 : i32
    %barrier3A_9 = arith.constant 0 : index
    tpu.barrier barrier_id(%barrier3A_9)
    %mul3A_10 = arith.constant 640 : i32
    %mul3A_11 = arith.muli %arg1, %mul3A_10 : i32
    %mul3A_12 = arith.constant 10240 : i32
    %mul3A_13 = arith.muli %arg0, %mul3A_12 : i32
    %mul3A_14 = arith.constant 640 : i32
    %mul3A_15 = arith.muli %arg1, %mul3A_14 : i32
    %add3A_16 = arith.addi %mul3A_13, %mul3A_15 : i32
    "tpu.region"() ({
      %run_scoped3A = tpu.sem_alloc : memref<!tpu.dma_semaphore, #tpu.memory_space<semaphore_mem>>
      %dma_start3A = arith.constant 0 : i32
      %dma_start3A_17 = tpu.memref_slice %arg6[%add3A_16, %dma_start3A] : memref<20480x128xf32, #tpu.memory_space<hbm>> -> memref<640x128xf32, #tpu.memory_space<hbm>>
      %dma_start3A_18 = arith.constant 0 : i32
      %dma_start3A_19 = tpu.memref_slice %arg10[%mul3A_11, %dma_start3A_18] : memref<10240x128xf32, #tpu.memory_space<vmem_shared>> -> memref<640x128xf32, #tpu.memory_space<vmem_shared>>
      tpu.enqueue_dma source(%dma_start3A_19 : memref<640x128xf32, #tpu.memory_space<vmem_shared>>) target(%dma_start3A_17 : memref<640x128xf32, #tpu.memory_space<hbm>>) target_semaphore(%run_scoped3A : memref<!tpu.dma_semaphore, #tpu.memory_space<semaphore_mem>>)
      %dma_wait3A = arith.constant 0 : i32
      %dma_wait3A_20 = tpu.memref_slice %arg6[%add3A_16, %dma_wait3A] : memref<20480x128xf32, #tpu.memory_space<hbm>> -> memref<640x128xf32, #tpu.memory_space<hbm>>
      %dma_wait3A_21 = arith.constant 0 : i32
      %dma_wait3A_22 = tpu.memref_slice %arg10[%mul3A_11, %dma_wait3A_21] : memref<10240x128xf32, #tpu.memory_space<vmem_shared>> -> memref<640x128xf32, #tpu.memory_space<vmem_shared>>
      tpu.wait_dma2 semaphore(%run_scoped3A : memref<!tpu.dma_semaphore, #tpu.memory_space<semaphore_mem>>) src(%dma_wait3A_22 : memref<640x128xf32, #tpu.memory_space<vmem_shared>>) dst(%dma_wait3A_20 : memref<640x128xf32, #tpu.memory_space<hbm>>)
      tpu.yield
    }) : () -> ()
    return
  }
}

module attributes {stable_mosaic.version = 14 : i64} {
  func.func @_mm_body(%arg0: i32, %arg1: memref<2048x128xf32, #tpu.memory_space<vmem>>, %arg2: memref<128x128xf32, #tpu.memory_space<vmem>>, %arg3: memref<2048x128xf32, #tpu.memory_space<vmem>>) attributes {dimension_semantics = [#tpu.dimension_semantics<arbitrary>], iteration_bounds = array<i64: 5>, scalar_prefetch = 0 : i64, scratch_operands = 0 : i64, tpu.core_type = #tpu.core_type<tc>, window_params = [{transform_indices = @transform_0, window_bounds = array<i64: 2048, 128>}, {pipeline_mode = #tpu.pipeline_mode<synchronous>, transform_indices = @transform_1, window_bounds = array<i64: 128, 128>}, {transform_indices = @transform_2, window_bounds = array<i64: 2048, 128>}]} {
    %get3A = arith.constant 0 : index
    %get3A_0 = arith.constant 0 : index
    %get3A_1 = vector.load %arg1[%get3A, %get3A_0] : memref<2048x128xf32, #tpu.memory_space<vmem>>, vector<2048x128xf32>
    %get3A_2 = arith.constant 0 : index
    %get3A_3 = arith.constant 0 : index
    %get3A_4 = vector.load %arg2[%get3A_2, %get3A_3] : memref<128x128xf32, #tpu.memory_space<vmem>>, vector<128x128xf32>
    %dot_general3A = arith.constant dense<0.000000e+00> : vector<2048x128xf32>
    %dot_general3A_5 = tpu.matmul %get3A_1, %get3A_4, %dot_general3A {dimension_numbers = #tpu.dot_dimension_numbers<[1], [0], [0], [1], [0, 0, 1, 1], [], []>, transpose_lhs_hint = false} : vector<2048x128xf32>, vector<128x128xf32>, vector<2048x128xf32> -> vector<2048x128xf32>
    %swap3A = arith.constant 0 : index
    %swap3A_6 = arith.constant 0 : index
    %swap3A_7 = vector.load %arg3[%swap3A, %swap3A_6] : memref<2048x128xf32, #tpu.memory_space<vmem>>, vector<2048x128xf32>
    tpu.vector_store %arg3[%swap3A, %swap3A_6], %dot_general3A_5 {strides = array<i32>} : memref<2048x128xf32, #tpu.memory_space<vmem>>, vector<2048x128xf32>,
    return
  }
  func.func @transform_0(%arg0: i32) -> (i32, i32) {
    %c0_i32 = arith.constant 0 : i32
    %c0_i32_0 = arith.constant 0 : i32
    return %arg0, %c0_i32 : i32, i32
  }
  func.func @transform_1(%arg0: i32) -> (i32, i32) {
    %c0_i32 = arith.constant 0 : i32
    %c0_i32_0 = arith.constant 0 : i32
    %c0_i32_1 = arith.constant 0 : i32
    return %c0_i32, %c0_i32_0 : i32, i32
  }
  func.func @transform_2(%arg0: i32) -> (i32, i32) {
    %c0_i32 = arith.constant 0 : i32
    %c0_i32_0 = arith.constant 0 : i32
    return %arg0, %c0_i32 : i32, i32
  }
}

module attributes {stable_mosaic.version = 14 : i64} {
  func.func @_scale_body(%arg0: i32, %arg1: memref<2048x128xf32, #tpu.memory_space<vmem>>, %arg2: memref<2048x128xf32, #tpu.memory_space<vmem>>, %arg3: memref<2048x128xf32, #tpu.memory_space<vmem>>, %arg4: memref<2048xf32, #tpu.memory_space<vmem>>, %arg5: memref<2048x128xf32, #tpu.memory_space<vmem>>) attributes {dimension_semantics = [#tpu.dimension_semantics<arbitrary>], iteration_bounds = array<i64: 5>, scalar_prefetch = 0 : i64, scratch_operands = 0 : i64, tpu.core_type = #tpu.core_type<tc>, window_params = [{transform_indices = @transform_0, window_bounds = array<i64: 2048, 128>}, {transform_indices = @transform_1, window_bounds = array<i64: 2048, 128>}, {transform_indices = @transform_2, window_bounds = array<i64: 2048, 128>}, {transform_indices = @transform_3, window_bounds = array<i64: 2048>}, {transform_indices = @transform_4, window_bounds = array<i64: 2048, 128>}]} {
    %get3A = arith.constant 0 : index
    %get3A_0 = arith.constant 0 : index
    %get3A_1 = vector.load %arg2[%get3A, %get3A_0] : memref<2048x128xf32, #tpu.memory_space<vmem>>, vector<2048x1xf32>
    %get3A_2 = vector.shape_cast %get3A_1 : vector<2048x1xf32> to vector<2048xf32>
    %get3A_3 = arith.constant 0 : index
    %get3A_4 = arith.constant 0 : index
    %get3A_5 = vector.load %arg3[%get3A_3, %get3A_4] : memref<2048x128xf32, #tpu.memory_space<vmem>>, vector<2048x1xf32>
    %get3A_6 = vector.shape_cast %get3A_5 : vector<2048x1xf32> to vector<2048xf32>
    %add3A = arith.addf %get3A_2, %get3A_6 : vector<2048xf32>
    %add3A_7 = arith.constant 1.000000e+00 : f32
    %add3A_8 = vector.broadcast %add3A_7 : f32 to vector<2048xf32>
    %add3A_9 = arith.addf %add3A, %add3A_8 : vector<2048xf32>
    %sqrt3A = math.sqrt %add3A_9 : vector<2048xf32>
    %div3A = arith.constant 1.000000e+00 : f32
    %div3A_10 = vector.broadcast %div3A : f32 to vector<2048xf32>
    %div3A_11 = arith.divf %div3A_10, %sqrt3A : vector<2048xf32>
    %swap3A = arith.constant 0 : index
    %swap3A_12 = vector.load %arg4[%swap3A] : memref<2048xf32, #tpu.memory_space<vmem>>, vector<2048xf32>
    tpu.vector_store %arg4[%swap3A], %div3A_11 {strides = array<i32>} : memref<2048xf32, #tpu.memory_space<vmem>>, vector<2048xf32>,
    %get3A_13 = arith.constant 0 : index
    %get3A_14 = arith.constant 0 : index
    %get3A_15 = vector.load %arg1[%get3A_13, %get3A_14] : memref<2048x128xf32, #tpu.memory_space<vmem>>, vector<2048x128xf32>
    %broadcast_in_dim3A = vector.shape_cast %div3A_11 : vector<2048xf32> to vector<2048x1xf32>
    %mul3A = vector.broadcast %broadcast_in_dim3A : vector<2048x1xf32> to vector<2048x128xf32>
    %mul3A_16 = arith.mulf %get3A_15, %mul3A : vector<2048x128xf32>
    %swap3A_17 = arith.constant 0 : index
    %swap3A_18 = arith.constant 0 : index
    %swap3A_19 = vector.load %arg5[%swap3A_17, %swap3A_18] : memref<2048x128xf32, #tpu.memory_space<vmem>>, vector<2048x128xf32>
    tpu.vector_store %arg5[%swap3A_17, %swap3A_18], %mul3A_16 {strides = array<i32>} : memref<2048x128xf32, #tpu.memory_space<vmem>>, vector<2048x128xf32>,
    return
  }
  func.func @transform_0(%arg0: i32) -> (i32, i32) {
    %c0_i32 = arith.constant 0 : i32
    %c0_i32_0 = arith.constant 0 : i32
    return %arg0, %c0_i32 : i32, i32
  }
  func.func @transform_1(%arg0: i32) -> (i32, i32) {
    %c0_i32 = arith.constant 0 : i32
    %c0_i32_0 = arith.constant 0 : i32
    return %arg0, %c0_i32 : i32, i32
  }
  func.func @transform_2(%arg0: i32) -> (i32, i32) {
    %c0_i32 = arith.constant 0 : i32
    %c0_i32_0 = arith.constant 0 : i32
    return %arg0, %c0_i32 : i32, i32
  }
  func.func @transform_3(%arg0: i32) -> i32 {
    %c0_i32 = arith.constant 0 : i32
    return %arg0 : i32
  }
  func.func @transform_4(%arg0: i32) -> (i32, i32) {
    %c0_i32 = arith.constant 0 : i32
    %c0_i32_0 = arith.constant 0 : i32
    return %arg0, %c0_i32 : i32, i32
  }
}

module attributes {stable_mosaic.version = 14 : i64} {
  func.func @_layer_body(%arg0: i32, %arg1: memref<2048x128xf32, #tpu.memory_space<vmem>>, %arg2: memref<2048x128xf32, #tpu.memory_space<vmem>>, %arg3: memref<2048x128xf32, #tpu.memory_space<vmem>>, %arg4: memref<2048xf32, #tpu.memory_space<vmem>>, %arg5: memref<1x128xf32, #tpu.memory_space<vmem>>, %arg6: memref<128x128xf32, #tpu.memory_space<vmem>>, %arg7: memref<2048x128xf32, #tpu.memory_space<vmem>>) attributes {dimension_semantics = [#tpu.dimension_semantics<arbitrary>], iteration_bounds = array<i64: 5>, scalar_prefetch = 0 : i64, scratch_operands = 0 : i64, tpu.core_type = #tpu.core_type<tc>, window_params = [{transform_indices = @transform_0, window_bounds = array<i64: 2048, 128>}, {transform_indices = @transform_1, window_bounds = array<i64: 2048, 128>}, {transform_indices = @transform_2, window_bounds = array<i64: 2048, 128>}, {transform_indices = @transform_3, window_bounds = array<i64: 2048>}, {pipeline_mode = #tpu.pipeline_mode<synchronous>, transform_indices = @transform_4, window_bounds = array<i64: 1, 128>}, {pipeline_mode = #tpu.pipeline_mode<synchronous>, transform_indices = @transform_5, window_bounds = array<i64: 128, 128>}, {transform_indices = @transform_6, window_bounds = array<i64: 2048, 128>}]} {
    %get3A = arith.constant 0 : index
    %get3A_0 = vector.load %arg4[%get3A] : memref<2048xf32, #tpu.memory_space<vmem>>, vector<2048xf32>
    %get3A_1 = arith.constant 0 : index
    %get3A_2 = arith.constant 0 : index
    %get3A_3 = vector.load %arg1[%get3A_1, %get3A_2] : memref<2048x128xf32, #tpu.memory_space<vmem>>, vector<2048x128xf32>
    %get3A_4 = arith.constant 0 : index
    %get3A_5 = arith.constant 0 : index
    %get3A_6 = vector.load %arg2[%get3A_4, %get3A_5] : memref<2048x128xf32, #tpu.memory_space<vmem>>, vector<2048x128xf32>
    %add3A = arith.addf %get3A_3, %get3A_6 : vector<2048x128xf32>
    %get3A_7 = arith.constant 0 : index
    %get3A_8 = arith.constant 0 : index
    %get3A_9 = vector.load %arg3[%get3A_7, %get3A_8] : memref<2048x128xf32, #tpu.memory_space<vmem>>, vector<2048x128xf32>
    %add3A_10 = arith.addf %add3A, %get3A_9 : vector<2048x128xf32>
    %broadcast_in_dim3A = vector.shape_cast %get3A_0 : vector<2048xf32> to vector<2048x1xf32>
    %mul3A = vector.broadcast %broadcast_in_dim3A : vector<2048x1xf32> to vector<2048x128xf32>
    %mul3A_11 = arith.mulf %add3A_10, %mul3A : vector<2048x128xf32>
    %get3A_12 = arith.constant 0 : index
    %get3A_13 = arith.constant 0 : index
    %get3A_14 = vector.load %arg5[%get3A_12, %get3A_13] : memref<1x128xf32, #tpu.memory_space<vmem>>, vector<1x128xf32>
    %add3A_15 = vector.broadcast %get3A_14 : vector<1x128xf32> to vector<2048x128xf32>
    %add3A_16 = arith.addf %mul3A_11, %add3A_15 : vector<2048x128xf32>
    %max3A = arith.constant 0.000000e+00 : f32
    %max3A_17 = vector.broadcast %max3A : f32 to vector<2048x128xf32>
    %max3A_18 = arith.maximumf %add3A_16, %max3A_17 : vector<2048x128xf32>
    %get3A_19 = arith.constant 0 : index
    %get3A_20 = arith.constant 0 : index
    %get3A_21 = vector.load %arg6[%get3A_19, %get3A_20] : memref<128x128xf32, #tpu.memory_space<vmem>>, vector<128x128xf32>
    %dot_general3A = arith.constant dense<0.000000e+00> : vector<2048x128xf32>
    %dot_general3A_22 = tpu.matmul %max3A_18, %get3A_21, %dot_general3A {dimension_numbers = #tpu.dot_dimension_numbers<[1], [0], [0], [1], [0, 0, 1, 1], [], []>, transpose_lhs_hint = false} : vector<2048x128xf32>, vector<128x128xf32>, vector<2048x128xf32> -> vector<2048x128xf32>
    %broadcast_in_dim3A_23 = vector.shape_cast %get3A_0 : vector<2048xf32> to vector<2048x1xf32>
    %mul3A_24 = vector.broadcast %broadcast_in_dim3A_23 : vector<2048x1xf32> to vector<2048x128xf32>
    %mul3A_25 = arith.mulf %dot_general3A_22, %mul3A_24 : vector<2048x128xf32>
    %swap3A = arith.constant 0 : index
    %swap3A_26 = arith.constant 0 : index
    %swap3A_27 = vector.load %arg7[%swap3A, %swap3A_26] : memref<2048x128xf32, #tpu.memory_space<vmem>>, vector<2048x128xf32>
    tpu.vector_store %arg7[%swap3A, %swap3A_26], %mul3A_25 {strides = array<i32>} : memref<2048x128xf32, #tpu.memory_space<vmem>>, vector<2048x128xf32>,
    return
  }
  func.func @transform_0(%arg0: i32) -> (i32, i32) {
    %c0_i32 = arith.constant 0 : i32
    %c0_i32_0 = arith.constant 0 : i32
    return %arg0, %c0_i32 : i32, i32
  }
  func.func @transform_1(%arg0: i32) -> (i32, i32) {
    %c0_i32 = arith.constant 0 : i32
    %c0_i32_0 = arith.constant 0 : i32
    return %arg0, %c0_i32 : i32, i32
  }
  func.func @transform_2(%arg0: i32) -> (i32, i32) {
    %c0_i32 = arith.constant 0 : i32
    %c0_i32_0 = arith.constant 0 : i32
    return %arg0, %c0_i32 : i32, i32
  }
  func.func @transform_3(%arg0: i32) -> i32 {
    %c0_i32 = arith.constant 0 : i32
    return %arg0 : i32
  }
  func.func @transform_4(%arg0: i32) -> (i32, i32) {
    %c0_i32 = arith.constant 0 : i32
    %c0_i32_0 = arith.constant 0 : i32
    %c0_i32_1 = arith.constant 0 : i32
    return %c0_i32, %c0_i32_0 : i32, i32
  }
  func.func @transform_5(%arg0: i32) -> (i32, i32) {
    %c0_i32 = arith.constant 0 : i32
    %c0_i32_0 = arith.constant 0 : i32
    %c0_i32_1 = arith.constant 0 : i32
    return %c0_i32, %c0_i32_0 : i32, i32
  }
  func.func @transform_6(%arg0: i32) -> (i32, i32) {
    %c0_i32 = arith.constant 0 : i32
    %c0_i32_0 = arith.constant 0 : i32
    return %arg0, %c0_i32 : i32, i32
  }
}

module attributes {stable_mosaic.version = 14 : i64} {
  func.func @_final_body(%arg0: i32, %arg1: memref<2048x128xf32, #tpu.memory_space<vmem>>, %arg2: memref<2048x128xf32, #tpu.memory_space<vmem>>, %arg3: memref<2048x128xf32, #tpu.memory_space<vmem>>, %arg4: memref<2048xf32, #tpu.memory_space<vmem>>, %arg5: memref<1x128xf32, #tpu.memory_space<vmem>>, %arg6: memref<1x128xf32, #tpu.memory_space<vmem>>, %arg7: memref<1x1xf32, #tpu.memory_space<vmem>>, %arg8: memref<2048x1xf32, #tpu.memory_space<vmem>>) attributes {dimension_semantics = [#tpu.dimension_semantics<arbitrary>], iteration_bounds = array<i64: 5>, scalar_prefetch = 0 : i64, scratch_operands = 0 : i64, tpu.core_type = #tpu.core_type<tc>, window_params = [{transform_indices = @transform_0, window_bounds = array<i64: 2048, 128>}, {transform_indices = @transform_1, window_bounds = array<i64: 2048, 128>}, {transform_indices = @transform_2, window_bounds = array<i64: 2048, 128>}, {transform_indices = @transform_3, window_bounds = array<i64: 2048>}, {pipeline_mode = #tpu.pipeline_mode<synchronous>, transform_indices = @transform_4, window_bounds = array<i64: 1, 128>}, {pipeline_mode = #tpu.pipeline_mode<synchronous>, transform_indices = @transform_5, window_bounds = array<i64: 1, 128>}, {pipeline_mode = #tpu.pipeline_mode<synchronous>, transform_indices = @transform_6, window_bounds = array<i64: 1, 1>}, {transform_indices = @transform_7, window_bounds = array<i64: 2048, 1>}]} {
    %get3A = arith.constant 0 : index
    %get3A_0 = vector.load %arg4[%get3A] : memref<2048xf32, #tpu.memory_space<vmem>>, vector<2048xf32>
    %get3A_1 = arith.constant 0 : index
    %get3A_2 = arith.constant 0 : index
    %get3A_3 = vector.load %arg1[%get3A_1, %get3A_2] : memref<2048x128xf32, #tpu.memory_space<vmem>>, vector<2048x128xf32>
    %get3A_4 = arith.constant 0 : index
    %get3A_5 = arith.constant 0 : index
    %get3A_6 = vector.load %arg2[%get3A_4, %get3A_5] : memref<2048x128xf32, #tpu.memory_space<vmem>>, vector<2048x128xf32>
    %add3A = arith.addf %get3A_3, %get3A_6 : vector<2048x128xf32>
    %get3A_7 = arith.constant 0 : index
    %get3A_8 = arith.constant 0 : index
    %get3A_9 = vector.load %arg3[%get3A_7, %get3A_8] : memref<2048x128xf32, #tpu.memory_space<vmem>>, vector<2048x128xf32>
    %add3A_10 = arith.addf %add3A, %get3A_9 : vector<2048x128xf32>
    %broadcast_in_dim3A = vector.shape_cast %get3A_0 : vector<2048xf32> to vector<2048x1xf32>
    %mul3A = vector.broadcast %broadcast_in_dim3A : vector<2048x1xf32> to vector<2048x128xf32>
    %mul3A_11 = arith.mulf %add3A_10, %mul3A : vector<2048x128xf32>
    %get3A_12 = arith.constant 0 : index
    %get3A_13 = arith.constant 0 : index
    %get3A_14 = vector.load %arg5[%get3A_12, %get3A_13] : memref<1x128xf32, #tpu.memory_space<vmem>>, vector<1x128xf32>
    %add3A_15 = vector.broadcast %get3A_14 : vector<1x128xf32> to vector<2048x128xf32>
    %add3A_16 = arith.addf %mul3A_11, %add3A_15 : vector<2048x128xf32>
    %max3A = arith.constant 0.000000e+00 : f32
    %max3A_17 = vector.broadcast %max3A : f32 to vector<2048x128xf32>
    %max3A_18 = arith.maximumf %add3A_16, %max3A_17 : vector<2048x128xf32>
    %get3A_19 = arith.constant 0 : index
    %get3A_20 = arith.constant 0 : index
    %get3A_21 = vector.load %arg6[%get3A_19, %get3A_20] : memref<1x128xf32, #tpu.memory_space<vmem>>, vector<1x128xf32>
    %mul3A_22 = vector.broadcast %get3A_21 : vector<1x128xf32> to vector<2048x128xf32>
    %mul3A_23 = arith.mulf %max3A_18, %mul3A_22 : vector<2048x128xf32>
    %reduce_sum3A = arith.constant dense<0.000000e+00> : vector<2048xf32>
    %reduce_sum3A_24 = vector.multi_reduction <add>, %mul3A_23, %reduce_sum3A [1] : vector<2048x128xf32> to vector<2048xf32>
    %broadcast_in_dim3A_25 = vector.shape_cast %reduce_sum3A_24 : vector<2048xf32> to vector<2048x1xf32>
    %get3A_26 = arith.constant 0 : index
    %get3A_27 = arith.constant 0 : index
    %get3A_28 = vector.load %arg7[%get3A_26, %get3A_27] : memref<1x1xf32, #tpu.memory_space<vmem>>, vector<1x1xf32>
    %get3A_29 = vector.extract %get3A_28[0, 0] : f32 from vector<1x1xf32>
    %add3A_30 = vector.broadcast %get3A_29 : f32 to vector<2048x1xf32>
    %add3A_31 = arith.addf %broadcast_in_dim3A_25, %add3A_30 : vector<2048x1xf32>
    %swap3A = arith.constant 0 : index
    %swap3A_32 = arith.constant 0 : index
    %swap3A_33 = vector.load %arg8[%swap3A, %swap3A_32] : memref<2048x1xf32, #tpu.memory_space<vmem>>, vector<2048x1xf32>
    tpu.vector_store %arg8[%swap3A, %swap3A_32], %add3A_31 {strides = array<i32>} : memref<2048x1xf32, #tpu.memory_space<vmem>>, vector<2048x1xf32>,
    return
  }
  func.func @transform_0(%arg0: i32) -> (i32, i32) {
    %c0_i32 = arith.constant 0 : i32
    %c0_i32_0 = arith.constant 0 : i32
    return %arg0, %c0_i32 : i32, i32
  }
  func.func @transform_1(%arg0: i32) -> (i32, i32) {
    %c0_i32 = arith.constant 0 : i32
    %c0_i32_0 = arith.constant 0 : i32
    return %arg0, %c0_i32 : i32, i32
  }
  func.func @transform_2(%arg0: i32) -> (i32, i32) {
    %c0_i32 = arith.constant 0 : i32
    %c0_i32_0 = arith.constant 0 : i32
    return %arg0, %c0_i32 : i32, i32
  }
  func.func @transform_3(%arg0: i32) -> i32 {
    %c0_i32 = arith.constant 0 : i32
    return %arg0 : i32
  }
  func.func @transform_4(%arg0: i32) -> (i32, i32) {
    %c0_i32 = arith.constant 0 : i32
    %c0_i32_0 = arith.constant 0 : i32
    %c0_i32_1 = arith.constant 0 : i32
    return %c0_i32, %c0_i32_0 : i32, i32
  }
  func.func @transform_5(%arg0: i32) -> (i32, i32) {
    %c0_i32 = arith.constant 0 : i32
    %c0_i32_0 = arith.constant 0 : i32
    %c0_i32_1 = arith.constant 0 : i32
    return %c0_i32, %c0_i32_0 : i32, i32
  }
  func.func @transform_6(%arg0: i32) -> (i32, i32) {
    %c0_i32 = arith.constant 0 : i32
    %c0_i32_0 = arith.constant 0 : i32
    %c0_i32_1 = arith.constant 0 : i32
    return %c0_i32, %c0_i32_0 : i32, i32
  }
  func.func @transform_7(%arg0: i32) -> (i32, i32) {
    %c0_i32 = arith.constant 0 : i32
    %c0_i32_0 = arith.constant 0 : i32
    return %arg0, %c0_i32 : i32, i32
  }
}

</mosaic_0001>

<sc_bundles>
// kernel: kernel.12.cloned.1.call-start
scs
__scs_entry_jumppad:
0x0: {  	(pc) =	sbr.rel $0x88, $3  }
0x1: {  	(tag) =	ssettag $0x0;
	lr =	simm.s32 $0x1  }
0x2: {  	[smem:$0x3F99] =	sst lr;
	_ =	strace $0xD0000000  }
0x3: {  	_ = 	snop  }
0x4: {  	_ = 	snop  }
0x5: {  	_ = 	snop  }
0x6: {  	_ = 	snop  }
0x7: {  	_ = 	snop  }
__scs_overlays_trampoline_lowered:
0x8: {  	[smem:$0x3FA8] =	sst s0  }
0x9: {  	[smem:$0x3FA9] =	sst s1  }
0xa: {  	[smem:$0x3FAA] =	sst s2  }
0xb: {  	[smem:$0x3FAB] =	sst s3  }
0xc: {  	[smem:$0x3FAC] =	sst s4  }
0xd: {  	[smem:$0x3FAD] =	sst s5  }
0xe: {  	[smem:$0x3FAE] =	sst s6  }
0xf: {  	[smem:$0x3FAF] =	sst s7  }
0x10: {  	[smem:$0x3FB0] =	sst s8  }
0x11: {  	[smem:$0x3FB1] =	sst s9;
	s0 =	simm.s32 @!p0 $0x0  }
0x12: {  	s1 =	sld [smem:$0x3F97];
	s0 =	simm.s32 @p0 $0x1  }
0x13: {  	[smem:$0x3FB2] =	sst s0;
	s0 =	simm.s32 @!p1 $0x0  }
0x14: {  	s2 =	sld [smem:$0x3F96];
	s0 =	simm.s32 @p1 $0x1  }
0x15: {  	[smem:$0x3FB3] =	sst s0;
	s0 =	simm.s32 @!p2 $0x0  }
0x16: {  	s3 =	sld [smem:$0x3FDB];
	s0 =	simm.s32 @p2 $0x1  }
0x17: {  	s4 =	simm.s32 $0x1BF5;
	[smem:$0x3FB5] =	sst s0  }
0x18: {  	s0 =	sld [smem:$0x3F98];
	_ =	swait.ge [sflag:s4], $0x0  }
0x19: {  	s7 =	sld [smem:$0x3F99]  }
0x1a: {  	s8 =	sadd.s32 $0xFFFFE003, lr  }
0x1b: {  	s9 =	sadd.s32 $0xFFFFFEF7, lr;
	s5 =	simm.s32 $0xFFFFFFFF;
	p2 =	slt.u32 s8, $0xFFFFF086  }
0x1c: {  	p1 =	slt.u32 s9, $0xF7A;
	s5 =	simm.s32 @!p2 $0x0  }
0x1d: {  	s5 =	simm.s32 @p1 $0x1;
	p0 =	seq.s32 s7, s2  }
0x1e: {  	s7 =	smul.u32 @!p0 $0xF7A, s2;
	p2 =	seq.s32 @!p0 s5, $0x0  }
0x1f: {  	s9 =	smul.u32 $0xF7A, s1;
	s8 =	simm.s32 @!p0 $0x1BF5;
	p2 =	por !p2, p0  }
0x20: {  	[sflag:s8] =	ssyncset.s32 @!p0 $0xFFFFF086;
	s6 =	sadd.s32 @!p0 s3, s7;
	s7 =	simm.s32 @!p0 $0x108  }
0x21: {  	s3 =	sadd.s32 s3, s9;
	s6 =	sadd.s32 @!p0 $0x88, s6;
	s7 =	simm.s32 @p2 $0x1082  }
0x22: {  	[simem:s7], [sflag:s8] =	dma.local @!p0 [hbm:s6], $0xF7A  }
0x23: {  	s9 =	sor.u32 $0xD0000000, s2;
	s6 =	simm.s32 $0x108;
	_ =	swait.ge @!p0 [sflag:s8], $0x0  }
0x24: {  	s3 =	sadd.s32 $0x88, s3;
	s6 =	simm.s32 @!p1 $0x1082;
	[sflag:s4] =	ssyncset.s32 $0xFFFFF086  }
0x25: {  	[simem:s6], [sflag:s4] =	dma.local [hbm:s3], $0xF7A  }
0x26: {  	[smem:$0x3F99] =	sst s1;
	(tag) =	ssettag s2;
	_ =	strace s9  }
0x27: {  	s1 =	sld [smem:$0x3FA9]  }
0x28: {  	s2 =	sld [smem:$0x3FAA]  }
0x29: {  	s4 =	sld [smem:$0x3FAC]  }
0x2a: {  	p0 =	seq.s32 s5, $0x0;
	s5 =	sld [smem:$0x3FAD]  }
0x2b: {  	s6 =	sld [smem:$0x3FAE]  }
0x2c: {  	s7 =	sld [smem:$0x3FAF]  }
0x2d: {  	s3 =	simm.s32 $0x108;
	s8 =	sld [smem:$0x3FB0]  }
0x2e: {  	s3 =	simm.s32 @!p0 $0x1082;
	s9 =	sld [smem:$0x3FB1]  }
0x2f: {  	lr =	sadd.s32 s0, s3;
	s0 =	sld [smem:$0x3FA8]  }
0x30: {  	s3 =	sld [smem:$0x3FAB]  }
0x31: {  	[smem:$0x3FB4] =	sst s10  }
0x32: {  	s10 =	sld [smem:$0x3FB2];
	_ =	sdelay $0x3  }
0x33: {  	p0 =	seq.s32 s10, $0x1;
	s10 =	sld [smem:$0x3FB4];
	_ =	sdelay $0x3  }
0x34: {  	[smem:$0x3FB4] =	sst s10  }
0x35: {  	s10 =	sld [smem:$0x3FB3];
	_ =	sdelay $0x3  }
0x36: {  	p1 =	seq.s32 s10, $0x1;
	s10 =	sld [smem:$0x3FB4];
	_ =	sdelay $0x3  }
0x37: {  	[smem:$0x3FB4] =	sst s10  }
0x38: {  	s10 =	sld [smem:$0x3FB5]  }
0x39: {  	_ = 	snop;
	(pc) =	sbr.ind lr, $3  }
0x3a: {  	_ = 	snop  }
0x3b: {  	_ = 	snop  }
0x3c: {  	p2 =	seq.s32 s10, $0x1;
	s10 =	sld [smem:$0x3FB4]  }
0x3d: {  	_ =	shalt  }
0x3e: {  	_ =	shalt  }
0x3f: {  	_ =	shalt  }
0x40: {  	_ =	shalt  }
0x41: {  	_ =	shalt  }
0x42: {  	_ =	shalt  }
0x43: {  	_ =	shalt  }
0x44: {  	_ =	shalt  }
0x45: {  	_ =	shalt  }
0x46: {  	_ =	shalt  }
0x47: {  	_ =	shalt  }
0x48: {  	_ =	shalt  }
0x49: {  	_ =	shalt  }
0x4a: {  	_ =	shalt  }
0x4b: {  	_ =	shalt  }
0x4c: {  	_ =	shalt  }
0x4d: {  	_ =	shalt  }
0x4e: {  	_ =	shalt  }
0x4f: {  	_ =	shalt  }
0x50: {  	_ =	shalt  }
0x51: {  	_ =	shalt  }
0x52: {  	_ =	shalt  }
0x53: {  	_ =	shalt  }
0x54: {  	_ =	shalt  }
0x55: {  	_ =	shalt  }
0x56: {  	_ =	shalt  }
0x57: {  	_ =	shalt  }
0x58: {  	_ =	shalt  }
0x59: {  	_ =	shalt  }
0x5a: {  	_ =	shalt  }
0x5b: {  	_ =	shalt  }
0x5c: {  	_ =	shalt  }
0x5d: {  	_ =	shalt  }
0x5e: {  	_ =	shalt  }
0x5f: {  	_ =	shalt  }
0x60: {  	_ =	shalt  }
0x61: {  	_ =	shalt  }
0x62: {  	_ =	shalt  }
0x63: {  	_ =	shalt  }
0x64: {  	_ =	shalt  }
0x65: {  	_ =	shalt  }
0x66: {  	_ =	shalt  }
0x67: {  	_ =	shalt  }
0x68: {  	_ =	shalt  }
0x69: {  	_ =	shalt  }
0x6a: {  	_ =	shalt  }
0x6b: {  	_ =	shalt  }
0x6c: {  	_ =	shalt  }
0x6d: {  	_ =	shalt  }
0x6e: {  	_ =	shalt  }
0x6f: {  	_ =	shalt  }
0x70: {  	_ =	shalt  }
0x71: {  	_ =	shalt  }
0x72: {  	_ =	shalt  }
0x73: {  	_ =	shalt  }
0x74: {  	_ =	shalt  }
0x75: {  	_ =	shalt  }
0x76: {  	_ =	shalt  }
0x77: {  	_ =	shalt  }
0x78: {  	_ =	shalt  }
0x79: {  	_ =	shalt  }
0x7a: {  	_ =	shalt  }
0x7b: {  	_ =	shalt  }
0x7c: {  	_ =	shalt  }
0x7d: {  	_ =	shalt  }
0x7e: {  	_ =	shalt  }
0x7f: {  	_ =	shalt  }
0x80: {  	_ =	shalt  }
0x81: {  	_ =	shalt  }
0x82: {  	_ =	shalt  }
0x83: {  	_ =	shalt  }
0x84: {  	_ =	shalt  }
0x85: {  	_ =	shalt  }
0x86: {  	_ =	shalt  }
0x87: {  	_ =	shalt  }
.Lfunc_end0:
.L_simem_size_0:
called_computation.1_lowered:
.L_overlay_start_0:
0x88: {  	s2 =	sld [smem:$0x3FD9]  }
0x89: {  	s3 =	sld [smem:$0x3FFE];
	_ =	sdelay $0x1  }
0x8a: {  	s1 =	srdreg.scid  }
0x8b: {  	s0 =	sand.u32 $0x1, s1  }
0x8c: {  	s16 =	sshll.u32 s0, $0xA;
	s2 =	sadd.s32 s3, s2  }
0x8d: {  	s2 =	sadd.s32 s2, s16  }
0x8e: {  	[smem:$0x3FC0] =	sst s2  }
0x8f: {  	_ = 	snop  }
0x90: {  	(tm) =	ssettm $0x1  }
0x91: {  	s17 =	sld [smem:$0x3FFB];
	_ =	sdelay $0x3  }
0x92: {  	_ =	strace s17  }
0x93: {  	s2 =	sld [smem:$0x3FFC];
	_ =	sdelay $0x3  }
0x94: {  	_ =	strace s2  }
0x95: {  	s2 =	sld [smem:$0x3FFD];
	_ =	sdelay $0x3  }
0x96: {  	_ =	strace s2  }
0x97: {  	_ =	strace $0x8FFFFFFF  }
0x98: {  	s18 =	sld [smem:$0x3FDB];
	_ =	sdelay $0x1  }
0x99: {  	s19 =	simm.s32 $_scs_section_size  }
0x9a: {  	s4 =	simm.s32 $_size__tile_overlayer_lowered;
	s5 =	simm.s32 $_tile_overlayer_lowered  }
0x9b: {  	s22 =	simm.s32 $0x1BFF;
	s21 =	sshll.u32 s5, $0x1;
	s2 =	sadd.s32 s19, s18  }
0x9c: {  	s6 =	simm.s32 $0x0;
	s20 =	sshll.u32 s4, $0x1;
	s4 =	sadd.s32 s21, s2  }
0x9d: {  	[timem:s6], [sflag:s22] =	dma.local [hbm:s4], s20  }
0x9e: {  	_ =	swait.ge [sflag:s22], s20  }
0x9f: {  	s3 =	ssub.s32 $0x0, s20;
	[sflag:s22] =	ssyncset.done $0x0  }
0xa0: {  	[sflag:s22] =	ssyncadd.s32 s3;
	_ =	sdelay $0x1  }
0xa1: {  	s23 =	simm.s32 $0x1B8B  }
0xa2: {  	_ =	swait.ge [sflag:s23], $0x1  }
0xa3: {  	[sflag:s23] =	ssyncset.done $0x0  }
0xa4: {  	s25 =	simm.s32 $0x1B8E;
	s24 =	sld [smem:$0x3FFE];
	[sflag:s23] =	ssyncadd.s32 $0xFFFFFFFF  }
0xa5: {  	s26 =	simm.s32 $execute0_lowered;
	[smem:$0x3FD2] =	sst s25  }
0xa6: {  	s4 =	sshll.u32 s26, $0x1;
	_ =	strace $0x80000049;
	[dreg:$0x1] =	wrdreg $0xFFFFFFFF  }
0xa7: {  	s28 =	simm.s32 $_size_execute0_lowered;
	s2 =	sadd.s32 s2, s4;
	[dreg:$0x0] =	wrdreg $0x0  }
0xa8: {  	s4 =	sshll.u32 s28, $0x1;
	[dreg:$0x2] =	wrdreg s2  }
0xa9: {  	[dreg:$0x3] =	wrdreg s4  }
0xaa: {  	[dreg:$0x4] =	wrdreg $0xC0  }
0xab: {  	_ =	task [dreg:s6], $0x5FFFF  }
0xac: {  	[dreg:$0x1] =	wrdreg $0xFFFFFFFF  }
0xad: {  	[dreg:$0x0] =	wrdreg $0x60  }
0xae: {  	[dreg:$0x2] =	wrdreg s24  }
0xaf: {  	[dreg:$0x3] =	wrdreg $0x29000  }
0xb0: {  	[dreg:$0x4] =	wrdreg $0x9  }
0xb1: {  	_ =	task.clear_ibuf [dreg:s6], $0x5FFFF;
	_ =	strace $0x90000049  }
0xb2: {  	s29 =	simm.s32 $0x9;
	_ =	strace $0x8000004B  }
0xb3: {  	_ =	swait.ge [sflag:s29], $0x1  }
0xb4: {  	[sflag:s29] =	ssyncadd.s32 $0xFFFFFFFF  }
0xb5: {  	_ =	strace $0x9000004B  }
0xb6: {  	_ =	sfence  }
0xb7: {  	s30 =	sld [smem:$0x0];
	_ =	sdelay $0x2  }
0xb8: {  	s31 =	sshll.u32 s1, $0xD;
	s1 =	sshrl.u32 s1, $0x2  }
0xb9: {  	s3 =	sand.u32 $0x4000, s31;
	s1 =	sadd.s32 s1, s30  }
0xba: {  	s0 =	sor.u32 s3, s0;
	s1 =	sshll.u32 s1, $0x11  }
0xbb: {  	s0 =	sor.u32 s1, s0  }
0xbc: {  	s0 =	sadd.s32 $0x8F2B, s0  }
0xbd: {  	[sflag:s0] =	ssyncadd.remote.s32 $0x1  }
0xbe: {  	_ =	sfence.sel $0xFFFF  }
0xbf: {  	[dreg:$0x0] =	wrdreg $0xFFFFFFFF;
	(pc) =	sbr.abs _section_cstart, $3  }
0xc0: {  	[dreg:$0x1] =	wrdreg $0xFFFFFFFF  }
0xc1: {  	_ =	task.clear_ibuf [dreg:s6], $0x2FFFF;
	_ =	strace $0x9FFFFFFF  }
0xc2: {  	(tm) =	ssettm $0x7FFFFFFF  }
0xc3: {  	_ =	shalt  }
tec
execute0_lowered:
.L_overlay_start_1:
0x0: {  	(tag) =	ssettag $0x1  }
0x1: {  	s6 =	rddreg [dreg:$0x0]  }
0x2: {  	s0 =	srdreg.scid;
	s2 =	rddreg [dreg:$0x1]  }
0x3: {  	s1 =	rddreg [dreg:$0x2];
	s3 =	simm.s32 $0x0;
	s7 =	sand.u32 $0x1, s0  }
0x4: {  	s13 =	simm.s32 $0x80;
	s0 =	stileid.u32;
	s4 =	smul.u32 $0x27100, s7  }
0x5: {  	s14 =	simm.s32 $0x50;
	s15 =	simm.s32 $0x100;
	s5 =	smul.u32 $0x2710, s0  }
0x6: {  	s16 =	simm.s32 $0x1;
	[smem:$0x7FF] =	sst s3;
	s8 =	smul.u32 $0x2800, s0  }
0x7: {  	s17 =	simm.s32 $0x0;
	_ =	strace $0x8000004A;
	s9 =	smul.u32 $0x28000, s7  }
0x8: {  	s11 =	smul.u32 $0x50000, s0;
	s7 =	ssub.s32 $0x2, s7;
	s31 =	sshll.u32 s0, $0x6  }
0x9: {  	s28 =	sshrl.u32 s7, $0x1;
	s4 =	sadd.s32 s5, s4;
	s8 =	sadd.s32 s8, s9  }
0xa: {  	s29 =	sshrl.u32 s11, $0x2;
	s30 =	ssub.s32 s7, s28;
	s5 =	sshrl.u32 s4, $0x3  }
0xb: {  	s4 =	sadd.s32 $0x19600, s6;
	s8 =	sadd.s32 s8, s6;
	s12 =	sadd.s32 s29, s2  }
0xc: {  	s10 =	sadd.s32 s5, s6;
	s5 =	sadd.s32 $0x16E00, s6;
	s6 =	sor.u32 $0x1C02, s31  }
0xd: {  	s7 =	sadd.s32 $0x41600, s8;
	s8 =	smax.u32 s30, $0x1;
	s11 =	sshrl.u32 s12, $0x3  }
0xe: {  	s12 =	simm.s32 $0x2;
	s9 =	sadd.s32 $0xD000, s10;
	s10 =	sadd.s32 $0x3200, s10  }
.LBB2_1:
0xf: {  	[spmem:s11], [sflag:s6] =	dma.local [hbm:s5], $0x2800  }
0x10: {  	_ =	swait.ge [sflag:s12], $0x2800  }
0x11: {  	[sflag:s12] =	ssyncset.done $0x0  }
0x12: {  	[sflag:s12] =	ssyncadd.s32 $0xFFFFD800  }
0x13: {  	s18 =	sadd.s32 $0x0, s10;
	[bflag:$0x0] =	sbarrier.arrive $0xFFFF  }
0x14: {  	[tilespmem:s3], [sflag:$0x2] =	stream.linear.gather [hbm4b:s18+s3], $0x50, $0x38;
	[tilespmem:$0x16900] =	vst v63  }
0x15: {  	_ =	swait.ge [sflag:s12], $0x50  }
0x16: {  	[sflag:s12] =	ssyncset.done $0x0  }
0x17: {  	s31 =	sadd.s32 $0x0, s9;
	[sflag:s12] =	ssyncadd.s32 $0xFFFFFFB0  }
0x18: {  	[tilespmem:s13], [sflag:$0x2] =	stream.linear.gather [hbm4b:s31+s3], $0x50, $0x38;
	[tilespmem:$0x16900] =	vst v63  }
0x19: {  	_ =	swait.ge [sflag:s12], $0x50  }
0x1a: {  	[sflag:s12] =	ssyncset.done $0x0  }
0x1b: {  	[sflag:s12] =	ssyncadd.s32 $0xFFFFFFB0  }
0x1c: {  	[tilespmem:s15], [sflag:$0x1] =	stream.indirect.gather [hbm4b:s4+s14], $0x80, s3, s14, $0xb8;
	[tilespmem:$0x16900] =	vst v63  }
0x1d: {  	_ =	swait.ge [sflag:s16], $0x2800  }
0x1e: {  	[sflag:s16] =	ssyncset.done $0x0  }
0x1f: {  	[sflag:s16] =	ssyncadd.s32 $0xFFFFD800  }
0x20: {  	[spmem:s2] =	stream.indirect.scatter.add.f32 [tilespmem:s15], [sflag:$0x2], $0x80, s13, s14, $0xb8;
	[tilespmem:$0x16900] =	vst v63  }
0x21: {  	_ =	swait.ge [sflag:s12], $0x2800  }
0x22: {  	s19 =	simm.s32 $0x14;
	s18 =	simm.s32 $0xA;
	[sflag:s12] =	ssyncset.done $0x0  }
.LBB2_2:
0x23: {  	s20 =	sadd.s32 s18, s10  }
0x24: {  	[sflag:s12] =	ssyncadd.s32 $0xFFFFD800;
	s21 =	smov.u32 s19;
	s22 =	sadd.s32 $0xA, s19  }
0x25: {  	[tilespmem:s3], [sflag:$0x2] =	stream.linear.gather [hbm4b:s20+s3], $0x50, $0x38;
	[tilespmem:$0x16900] =	vst v63  }
0x26: {  	p0 =	sne.s32 s19, $0x4D8;
	_ =	swait.ge [sflag:s12], $0x50  }
0x27: {  	[sflag:s12] =	ssyncset.done $0x0  }
0x28: {  	s19 =	sadd.s32 s18, s9;
	s18 =	smov.u32 s21;
	[sflag:s12] =	ssyncadd.s32 $0xFFFFFFB0  }
0x29: {  	[tilespmem:s13], [sflag:$0x2] =	stream.linear.gather [hbm4b:s19+s3], $0x50, $0x38;
	[tilespmem:$0x16900] =	vst v63  }
0x2a: {  	_ =	swait.ge [sflag:s12], $0x50  }
0x2b: {  	[sflag:s12] =	ssyncset.done $0x0  }
0x2c: {  	[sflag:s12] =	ssyncadd.s32 $0xFFFFFFB0  }
0x2d: {  	[tilespmem:s15], [sflag:$0x1] =	stream.indirect.gather [hbm4b:s4+s14], $0x80, s3, s14, $0xb8;
	[tilespmem:$0x16900] =	vst v63  }
0x2e: {  	_ =	swait.ge [sflag:s16], $0x2800  }
.Ltmp0:
0x2f: {  	[sflag:s16] =	ssyncset.done $0x0;
	(pc) =	sbr.rel @p0 .LBB2_2-.Ltmp0, $4  }
0x30: {  	[sflag:s16] =	ssyncadd.s32 $0xFFFFD800  }
0x31: {  	[spmem:s2] =	stream.indirect.scatter.add.f32 [tilespmem:s15], [sflag:$0x2], $0x80, s13, s14, $0xb8;
	[tilespmem:$0x16900] =	vst v63  }
0x32: {  	_ =	swait.ge [sflag:s12], $0x2800  }
0x33: {  	s19 =	smov.u32 s22;
	[sflag:s12] =	ssyncset.done $0x0  }
0x34: {  	s19 =	sadd.s32 s18, s10;
	[sflag:s12] =	ssyncadd.s32 $0xFFFFD800  }
0x35: {  	[tilespmem:s3], [sflag:$0x2] =	stream.linear.gather [hbm4b:s19+s3], $0x50, $0x38;
	[tilespmem:$0x16900] =	vst v63  }
0x36: {  	_ =	swait.ge [sflag:s12], $0x50  }
0x37: {  	[sflag:s12] =	ssyncset.done $0x0  }
0x38: {  	s31 =	sadd.s32 s18, s9;
	[sflag:s12] =	ssyncadd.s32 $0xFFFFFFB0  }
0x39: {  	[tilespmem:s13], [sflag:$0x2] =	stream.linear.gather [hbm4b:s31+s3], $0x50, $0x38;
	[tilespmem:$0x16900] =	vst v63  }
0x3a: {  	_ =	swait.ge [sflag:s12], $0x50  }
0x3b: {  	[sflag:s12] =	ssyncset.done $0x0  }
0x3c: {  	[sflag:s12] =	ssyncadd.s32 $0xFFFFFFB0  }
0x3d: {  	[tilespmem:s15], [sflag:$0x1] =	stream.indirect.gather [hbm4b:s4+s14], $0x80, s3, s14, $0xb8;
	[tilespmem:$0x16900] =	vst v63  }
0x3e: {  	_ =	swait.ge [sflag:s16], $0x2800  }
0x3f: {  	[sflag:s16] =	ssyncset.done $0x0  }
0x40: {  	[sflag:s16] =	ssyncadd.s32 $0xFFFFD800  }
0x41: {  	[spmem:s2] =	stream.indirect.scatter.add.f32 [tilespmem:s15], [sflag:$0x2], $0x80, s13, s14, $0xb8;
	[tilespmem:$0x16900] =	vst v63  }
0x42: {  	_ =	swait.ge [sflag:s12], $0x2800  }
0x43: {  	s17 =	sadd.s32 $0x1, s17;
	[sflag:s12] =	ssyncset.done $0x0  }
0x44: {  	p0 =	sne.s32 s17, s8;
	[sflag:s12] =	ssyncadd.s32 $0xFFFFD800  }
.Ltmp1:
0x45: {  	[bflag:$0x0] =	sbarrier.arrive $0xFFFF;
	(pc) =	sbr.rel @p0 .LBB2_1-.Ltmp1, $4  }
0x46: {  	[hbm:s7], [sflag:s6] =	dma.local [spmem:s11], $0x2800  }
0x47: {  	_ =	swait.ge [sflag:s12], $0x2800  }
0x48: {  	[sflag:s12] =	ssyncset.done $0x0  }
0x49: {  	[sflag:s12] =	ssyncadd.s32 $0xFFFFD800  }
0x4a: {  	_ =	sfence.sel $0x180000  }
0x4b: {  	[bflag:$0x0] =	sbarrier.arrive $0xFFFF  }
0x4c: {  	p0 =	sne.s32 s0, $0x0;
	_ =	strace $0x9000004A  }
0x4d: {  	s0 =	sadd.s32 @!p0 $0x100000, s1;
	[bflag:$0x2] =	sbarrier.arrive $0xFFFF  }
0x4e: {  	[sflag:s0] =	ssyncadd.tile.s32 @!p0 $0x1;
	_ =	shalt  }
.Lfunc_end2:
_tile_overlayer_lowered:
.L_overlay_start_2:
0x4f: {  	(tag) =	ssettag $0x2  }
0x50: {  	s0 =	rddreg [dreg:$0x0];
	s2 =	stileid.u32  }
0x51: {  	s1 =	rddreg [dreg:$0x1];
	p0 =	sne.s32 s2, $0x0  }
0x52: {  	s3 =	rddreg [dreg:$0x2];
	[bflag:$0x3] =	sbarrier.arrive $0xFFFF;
	s2 =	simm.s32 @!p0 $0x1C02  }
0x53: {  	[timem:s3], [sflag:s2] =	dma.local @!p0 [hbm:s0], s1  }
0x54: {  	s0 =	simm.s32 @!p0 $0x2  }
0x55: {  	_ =	swait.ge @!p0 [sflag:s0], s1  }
0x56: {  	s1 =	ssub.s32 @!p0 $0x0, s1;
	[sflag:s0] =	ssyncset.done @!p0 $0x0  }
0x57: {  	[sflag:s0] =	ssyncadd.s32 @!p0 s1  }
0x58: {  	[bflag:$0x3] =	sbarrier.arrive $0xFFFF  }
0x59: {  	_ =	shalt  }

// kernel: kernel.15.cloned.1.call-start
scs
__scs_entry_jumppad:
0x0: {  	(pc) =	sbr.rel $0x88, $3  }
0x1: {  	(tag) =	ssettag $0x0;
	lr =	simm.s32 $0x1  }
0x2: {  	[smem:$0x3F99] =	sst lr;
	_ =	strace $0xD0000000  }
0x3: {  	_ = 	snop  }
0x4: {  	_ = 	snop  }
0x5: {  	_ = 	snop  }
0x6: {  	_ = 	snop  }
0x7: {  	_ = 	snop  }
__scs_overlays_trampoline_lowered:
0x8: {  	[smem:$0x3FA8] =	sst s0  }
0x9: {  	[smem:$0x3FA9] =	sst s1  }
0xa: {  	[smem:$0x3FAA] =	sst s2  }
0xb: {  	[smem:$0x3FAB] =	sst s3  }
0xc: {  	[smem:$0x3FAC] =	sst s4  }
0xd: {  	[smem:$0x3FAD] =	sst s5  }
0xe: {  	[smem:$0x3FAE] =	sst s6  }
0xf: {  	[smem:$0x3FAF] =	sst s7  }
0x10: {  	[smem:$0x3FB0] =	sst s8  }
0x11: {  	[smem:$0x3FB1] =	sst s9;
	s0 =	simm.s32 @!p0 $0x0  }
0x12: {  	s1 =	sld [smem:$0x3F97];
	s0 =	simm.s32 @p0 $0x1  }
0x13: {  	[smem:$0x3FB2] =	sst s0;
	s0 =	simm.s32 @!p1 $0x0  }
0x14: {  	s2 =	sld [smem:$0x3F96];
	s0 =	simm.s32 @p1 $0x1  }
0x15: {  	[smem:$0x3FB3] =	sst s0;
	s0 =	simm.s32 @!p2 $0x0  }
0x16: {  	s3 =	sld [smem:$0x3FDB];
	s0 =	simm.s32 @p2 $0x1  }
0x17: {  	s4 =	simm.s32 $0x1BF5;
	[smem:$0x3FB5] =	sst s0  }
0x18: {  	s0 =	sld [smem:$0x3F98];
	_ =	swait.ge [sflag:s4], $0x0  }
0x19: {  	s7 =	sld [smem:$0x3F99]  }
0x1a: {  	s8 =	sadd.s32 $0xFFFFE003, lr  }
0x1b: {  	s9 =	sadd.s32 $0xFFFFFEF7, lr;
	s5 =	simm.s32 $0xFFFFFFFF;
	p2 =	slt.u32 s8, $0xFFFFF086  }
0x1c: {  	p1 =	slt.u32 s9, $0xF7A;
	s5 =	simm.s32 @!p2 $0x0  }
0x1d: {  	s5 =	simm.s32 @p1 $0x1;
	p0 =	seq.s32 s7, s2  }
0x1e: {  	s7 =	smul.u32 @!p0 $0xF7A, s2;
	p2 =	seq.s32 @!p0 s5, $0x0  }
0x1f: {  	s9 =	smul.u32 $0xF7A, s1;
	s8 =	simm.s32 @!p0 $0x1BF5;
	p2 =	por !p2, p0  }
0x20: {  	[sflag:s8] =	ssyncset.s32 @!p0 $0xFFFFF086;
	s6 =	sadd.s32 @!p0 s3, s7;
	s7 =	simm.s32 @!p0 $0x108  }
0x21: {  	s3 =	sadd.s32 s3, s9;
	s6 =	sadd.s32 @!p0 $0x88, s6;
	s7 =	simm.s32 @p2 $0x1082  }
0x22: {  	[simem:s7], [sflag:s8] =	dma.local @!p0 [hbm:s6], $0xF7A  }
0x23: {  	s9 =	sor.u32 $0xD0000000, s2;
	s6 =	simm.s32 $0x108;
	_ =	swait.ge @!p0 [sflag:s8], $0x0  }
0x24: {  	s3 =	sadd.s32 $0x88, s3;
	s6 =	simm.s32 @!p1 $0x1082;
	[sflag:s4] =	ssyncset.s32 $0xFFFFF086  }
0x25: {  	[simem:s6], [sflag:s4] =	dma.local [hbm:s3], $0xF7A  }
0x26: {  	[smem:$0x3F99] =	sst s1;
	(tag) =	ssettag s2;
	_ =	strace s9  }
0x27: {  	s1 =	sld [smem:$0x3FA9]  }
0x28: {  	s2 =	sld [smem:$0x3FAA]  }
0x29: {  	s4 =	sld [smem:$0x3FAC]  }
0x2a: {  	p0 =	seq.s32 s5, $0x0;
	s5 =	sld [smem:$0x3FAD]  }
0x2b: {  	s6 =	sld [smem:$0x3FAE]  }
0x2c: {  	s7 =	sld [smem:$0x3FAF]  }
0x2d: {  	s3 =	simm.s32 $0x108;
	s8 =	sld [smem:$0x3FB0]  }
0x2e: {  	s3 =	simm.s32 @!p0 $0x1082;
	s9 =	sld [smem:$0x3FB1]  }
0x2f: {  	lr =	sadd.s32 s0, s3;
	s0 =	sld [smem:$0x3FA8]  }
0x30: {  	s3 =	sld [smem:$0x3FAB]  }
0x31: {  	[smem:$0x3FB4] =	sst s10  }
0x32: {  	s10 =	sld [smem:$0x3FB2];
	_ =	sdelay $0x3  }
0x33: {  	p0 =	seq.s32 s10, $0x1;
	s10 =	sld [smem:$0x3FB4];
	_ =	sdelay $0x3  }
0x34: {  	[smem:$0x3FB4] =	sst s10  }
0x35: {  	s10 =	sld [smem:$0x3FB3];
	_ =	sdelay $0x3  }
0x36: {  	p1 =	seq.s32 s10, $0x1;
	s10 =	sld [smem:$0x3FB4];
	_ =	sdelay $0x3  }
0x37: {  	[smem:$0x3FB4] =	sst s10  }
0x38: {  	s10 =	sld [smem:$0x3FB5]  }
0x39: {  	_ = 	snop;
	(pc) =	sbr.ind lr, $3  }
0x3a: {  	_ = 	snop  }
0x3b: {  	_ = 	snop  }
0x3c: {  	p2 =	seq.s32 s10, $0x1;
	s10 =	sld [smem:$0x3FB4]  }
0x3d: {  	_ =	shalt  }
0x3e: {  	_ =	shalt  }
0x3f: {  	_ =	shalt  }
0x40: {  	_ =	shalt  }
0x41: {  	_ =	shalt  }
0x42: {  	_ =	shalt  }
0x43: {  	_ =	shalt  }
0x44: {  	_ =	shalt  }
0x45: {  	_ =	shalt  }
0x46: {  	_ =	shalt  }
0x47: {  	_ =	shalt  }
0x48: {  	_ =	shalt  }
0x49: {  	_ =	shalt  }
0x4a: {  	_ =	shalt  }
0x4b: {  	_ =	shalt  }
0x4c: {  	_ =	shalt  }
0x4d: {  	_ =	shalt  }
0x4e: {  	_ =	shalt  }
0x4f: {  	_ =	shalt  }
0x50: {  	_ =	shalt  }
0x51: {  	_ =	shalt  }
0x52: {  	_ =	shalt  }
0x53: {  	_ =	shalt  }
0x54: {  	_ =	shalt  }
0x55: {  	_ =	shalt  }
0x56: {  	_ =	shalt  }
0x57: {  	_ =	shalt  }
0x58: {  	_ =	shalt  }
0x59: {  	_ =	shalt  }
0x5a: {  	_ =	shalt  }
0x5b: {  	_ =	shalt  }
0x5c: {  	_ =	shalt  }
0x5d: {  	_ =	shalt  }
0x5e: {  	_ =	shalt  }
0x5f: {  	_ =	shalt  }
0x60: {  	_ =	shalt  }
0x61: {  	_ =	shalt  }
0x62: {  	_ =	shalt  }
0x63: {  	_ =	shalt  }
0x64: {  	_ =	shalt  }
0x65: {  	_ =	shalt  }
0x66: {  	_ =	shalt  }
0x67: {  	_ =	shalt  }
0x68: {  	_ =	shalt  }
0x69: {  	_ =	shalt  }
0x6a: {  	_ =	shalt  }
0x6b: {  	_ =	shalt  }
0x6c: {  	_ =	shalt  }
0x6d: {  	_ =	shalt  }
0x6e: {  	_ =	shalt  }
0x6f: {  	_ =	shalt  }
0x70: {  	_ =	shalt  }
0x71: {  	_ =	shalt  }
0x72: {  	_ =	shalt  }
0x73: {  	_ =	shalt  }
0x74: {  	_ =	shalt  }
0x75: {  	_ =	shalt  }
0x76: {  	_ =	shalt  }
0x77: {  	_ =	shalt  }
0x78: {  	_ =	shalt  }
0x79: {  	_ =	shalt  }
0x7a: {  	_ =	shalt  }
0x7b: {  	_ =	shalt  }
0x7c: {  	_ =	shalt  }
0x7d: {  	_ =	shalt  }
0x7e: {  	_ =	shalt  }
0x7f: {  	_ =	shalt  }
0x80: {  	_ =	shalt  }
0x81: {  	_ =	shalt  }
0x82: {  	_ =	shalt  }
0x83: {  	_ =	shalt  }
0x84: {  	_ =	shalt  }
0x85: {  	_ =	shalt  }
0x86: {  	_ =	shalt  }
0x87: {  	_ =	shalt  }
.Lfunc_end0:
.L_simem_size_0:
called_computation.2_lowered:
.L_overlay_start_0:
0x88: {  	s2 =	sld [smem:$0x3FD9]  }
0x89: {  	s3 =	sld [smem:$0x3FFE];
	_ =	sdelay $0x1  }
0x8a: {  	s1 =	srdreg.scid  }
0x8b: {  	s0 =	sand.u32 $0x1, s1  }
0x8c: {  	s16 =	sshll.u32 s0, $0xA;
	s2 =	sadd.s32 s3, s2  }
0x8d: {  	s2 =	sadd.s32 s2, s16  }
0x8e: {  	[smem:$0x3FC0] =	sst s2  }
0x8f: {  	_ = 	snop  }
0x90: {  	(tm) =	ssettm $0x1  }
0x91: {  	s17 =	sld [smem:$0x3FFB];
	_ =	sdelay $0x3  }
0x92: {  	_ =	strace s17  }
0x93: {  	s2 =	sld [smem:$0x3FFC];
	_ =	sdelay $0x3  }
0x94: {  	_ =	strace s2  }
0x95: {  	s2 =	sld [smem:$0x3FFD];
	_ =	sdelay $0x3  }
0x96: {  	_ =	strace s2  }
0x97: {  	_ =	strace $0x8FFFFFFF  }
0x98: {  	s18 =	sld [smem:$0x3FDB];
	_ =	sdelay $0x1  }
0x99: {  	s19 =	simm.s32 $_scs_section_size  }
0x9a: {  	s4 =	simm.s32 $_size__tile_overlayer_lowered;
	s5 =	simm.s32 $_tile_overlayer_lowered  }
0x9b: {  	s22 =	simm.s32 $0x1BFF;
	s21 =	sshll.u32 s5, $0x1;
	s2 =	sadd.s32 s19, s18  }
0x9c: {  	s6 =	simm.s32 $0x0;
	s20 =	sshll.u32 s4, $0x1;
	s4 =	sadd.s32 s21, s2  }
0x9d: {  	[timem:s6], [sflag:s22] =	dma.local [hbm:s4], s20  }
0x9e: {  	_ =	swait.ge [sflag:s22], s20  }
0x9f: {  	s3 =	ssub.s32 $0x0, s20;
	[sflag:s22] =	ssyncset.done $0x0  }
0xa0: {  	[sflag:s22] =	ssyncadd.s32 s3;
	_ =	sdelay $0x1  }
0xa1: {  	s23 =	simm.s32 $0x1B8B  }
0xa2: {  	_ =	swait.ge [sflag:s23], $0x1  }
0xa3: {  	[sflag:s23] =	ssyncset.done $0x0  }
0xa4: {  	s25 =	simm.s32 $0x1B8E;
	s24 =	sld [smem:$0x3FFE];
	[sflag:s23] =	ssyncadd.s32 $0xFFFFFFFF  }
0xa5: {  	s26 =	simm.s32 $execute0_lowered;
	[smem:$0x3FD2] =	sst s25  }
0xa6: {  	s4 =	sshll.u32 s26, $0x1;
	_ =	strace $0x8000004C;
	[dreg:$0x1] =	wrdreg $0xFFFFFFFF  }
0xa7: {  	s28 =	simm.s32 $_size_execute0_lowered;
	s2 =	sadd.s32 s2, s4;
	[dreg:$0x0] =	wrdreg $0x0  }
0xa8: {  	s4 =	sshll.u32 s28, $0x1;
	[dreg:$0x2] =	wrdreg s2  }
0xa9: {  	[dreg:$0x3] =	wrdreg s4  }
0xaa: {  	[dreg:$0x4] =	wrdreg $0xC0  }
0xab: {  	_ =	task [dreg:s6], $0x5FFFF  }
0xac: {  	[dreg:$0x1] =	wrdreg $0xFFFFFFFF  }
0xad: {  	[dreg:$0x0] =	wrdreg $0x60  }
0xae: {  	[dreg:$0x2] =	wrdreg s24  }
0xaf: {  	[dreg:$0x3] =	wrdreg $0x29000  }
0xb0: {  	[dreg:$0x4] =	wrdreg $0x9  }
0xb1: {  	_ =	task.clear_ibuf [dreg:s6], $0x5FFFF;
	_ =	strace $0x9000004C  }
0xb2: {  	s29 =	simm.s32 $0x9;
	_ =	strace $0x8000004E  }
0xb3: {  	_ =	swait.ge [sflag:s29], $0x1  }
0xb4: {  	[sflag:s29] =	ssyncadd.s32 $0xFFFFFFFF  }
0xb5: {  	_ =	strace $0x9000004E  }
0xb6: {  	_ =	sfence  }
0xb7: {  	s30 =	sld [smem:$0x0];
	_ =	sdelay $0x2  }
0xb8: {  	s31 =	sshll.u32 s1, $0xD;
	s1 =	sshrl.u32 s1, $0x2  }
0xb9: {  	s3 =	sand.u32 $0x4000, s31;
	s1 =	sadd.s32 s1, s30  }
0xba: {  	s0 =	sor.u32 s3, s0;
	s1 =	sshll.u32 s1, $0x11  }
0xbb: {  	s0 =	sor.u32 s1, s0  }
0xbc: {  	s0 =	sadd.s32 $0x8F2B, s0  }
0xbd: {  	[sflag:s0] =	ssyncadd.remote.s32 $0x1  }
0xbe: {  	_ =	sfence.sel $0xFFFF  }
0xbf: {  	[dreg:$0x0] =	wrdreg $0xFFFFFFFF;
	(pc) =	sbr.abs _section_cstart, $3  }
0xc0: {  	[dreg:$0x1] =	wrdreg $0xFFFFFFFF  }
0xc1: {  	_ =	task.clear_ibuf [dreg:s6], $0x2FFFF;
	_ =	strace $0x9FFFFFFF  }
0xc2: {  	(tm) =	ssettm $0x7FFFFFFF  }
0xc3: {  	_ =	shalt  }
tec
execute0_lowered:
.L_overlay_start_1:
0x0: {  	(tag) =	ssettag $0x1  }
0x1: {  	s6 =	rddreg [dreg:$0x0]  }
0x2: {  	s0 =	srdreg.scid;
	s2 =	rddreg [dreg:$0x1]  }
0x3: {  	s1 =	rddreg [dreg:$0x2];
	s3 =	simm.s32 $0x0;
	s7 =	sand.u32 $0x1, s0  }
0x4: {  	s13 =	simm.s32 $0x80;
	s0 =	stileid.u32;
	s4 =	smul.u32 $0x27100, s7  }
0x5: {  	s14 =	simm.s32 $0x50;
	s15 =	simm.s32 $0x100;
	s5 =	smul.u32 $0x2710, s0  }
0x6: {  	s16 =	simm.s32 $0x1;
	[smem:$0x7FF] =	sst s3;
	s8 =	smul.u32 $0x2800, s0  }
0x7: {  	s17 =	simm.s32 $0x0;
	_ =	strace $0x8000004D;
	s9 =	smul.u32 $0x28000, s7  }
0x8: {  	s11 =	smul.u32 $0x50000, s0;
	s7 =	ssub.s32 $0x2, s7;
	s31 =	sshll.u32 s0, $0x6  }
0x9: {  	s28 =	sshrl.u32 s7, $0x1;
	s4 =	sadd.s32 s5, s4;
	s8 =	sadd.s32 s8, s9  }
0xa: {  	s29 =	sshrl.u32 s11, $0x2;
	s30 =	ssub.s32 s7, s28;
	s5 =	sshrl.u32 s4, $0x3  }
0xb: {  	s4 =	sadd.s32 $0x19600, s6;
	s8 =	sadd.s32 s8, s6;
	s12 =	sadd.s32 s29, s2  }
0xc: {  	s10 =	sadd.s32 s5, s6;
	s5 =	sadd.s32 $0x16E00, s6;
	s6 =	sor.u32 $0x1C02, s31  }
0xd: {  	s7 =	sadd.s32 $0x41600, s8;
	s8 =	smax.u32 s30, $0x1;
	s11 =	sshrl.u32 s12, $0x3  }
0xe: {  	s12 =	simm.s32 $0x2;
	s9 =	sadd.s32 $0xD000, s10;
	s10 =	sadd.s32 $0x3200, s10  }
.LBB2_1:
0xf: {  	[spmem:s11], [sflag:s6] =	dma.local [hbm:s5], $0x2800  }
0x10: {  	_ =	swait.ge [sflag:s12], $0x2800  }
0x11: {  	[sflag:s12] =	ssyncset.done $0x0  }
0x12: {  	[sflag:s12] =	ssyncadd.s32 $0xFFFFD800  }
0x13: {  	s18 =	sadd.s32 $0x0, s10;
	[bflag:$0x0] =	sbarrier.arrive $0xFFFF  }
0x14: {  	[tilespmem:s3], [sflag:$0x2] =	stream.linear.gather [hbm4b:s18+s3], $0x50, $0x38;
	[tilespmem:$0x16900] =	vst v63  }
0x15: {  	_ =	swait.ge [sflag:s12], $0x50  }
0x16: {  	[sflag:s12] =	ssyncset.done $0x0  }
0x17: {  	s31 =	sadd.s32 $0x0, s9;
	[sflag:s12] =	ssyncadd.s32 $0xFFFFFFB0  }
0x18: {  	[tilespmem:s13], [sflag:$0x2] =	stream.linear.gather [hbm4b:s31+s3], $0x50, $0x38;
	[tilespmem:$0x16900] =	vst v63  }
0x19: {  	_ =	swait.ge [sflag:s12], $0x50  }
0x1a: {  	[sflag:s12] =	ssyncset.done $0x0  }
0x1b: {  	[sflag:s12] =	ssyncadd.s32 $0xFFFFFFB0  }
0x1c: {  	[tilespmem:s15], [sflag:$0x1] =	stream.indirect.gather [hbm4b:s4+s14], $0x80, s3, s14, $0xb8;
	[tilespmem:$0x16900] =	vst v63  }
0x1d: {  	_ =	swait.ge [sflag:s16], $0x2800  }
0x1e: {  	[sflag:s16] =	ssyncset.done $0x0  }
0x1f: {  	[sflag:s16] =	ssyncadd.s32 $0xFFFFD800  }
0x20: {  	[spmem:s2] =	stream.indirect.scatter.add.f32 [tilespmem:s15], [sflag:$0x2], $0x80, s13, s14, $0xb8;
	[tilespmem:$0x16900] =	vst v63  }
0x21: {  	_ =	swait.ge [sflag:s12], $0x2800  }
0x22: {  	s19 =	simm.s32 $0x14;
	s18 =	simm.s32 $0xA;
	[sflag:s12] =	ssyncset.done $0x0  }
.LBB2_2:
0x23: {  	s20 =	sadd.s32 s18, s10  }
0x24: {  	[sflag:s12] =	ssyncadd.s32 $0xFFFFD800;
	s21 =	smov.u32 s19;
	s22 =	sadd.s32 $0xA, s19  }
0x25: {  	[tilespmem:s3], [sflag:$0x2] =	stream.linear.gather [hbm4b:s20+s3], $0x50, $0x38;
	[tilespmem:$0x16900] =	vst v63  }
0x26: {  	p0 =	sne.s32 s19, $0x4D8;
	_ =	swait.ge [sflag:s12], $0x50  }
0x27: {  	[sflag:s12] =	ssyncset.done $0x0  }
0x28: {  	s19 =	sadd.s32 s18, s9;
	s18 =	smov.u32 s21;
	[sflag:s12] =	ssyncadd.s32 $0xFFFFFFB0  }
0x29: {  	[tilespmem:s13], [sflag:$0x2] =	stream.linear.gather [hbm4b:s19+s3], $0x50, $0x38;
	[tilespmem:$0x16900] =	vst v63  }
0x2a: {  	_ =	swait.ge [sflag:s12], $0x50  }
0x2b: {  	[sflag:s12] =	ssyncset.done $0x0  }
0x2c: {  	[sflag:s12] =	ssyncadd.s32 $0xFFFFFFB0  }
0x2d: {  	[tilespmem:s15], [sflag:$0x1] =	stream.indirect.gather [hbm4b:s4+s14], $0x80, s3, s14, $0xb8;
	[tilespmem:$0x16900] =	vst v63  }
0x2e: {  	_ =	swait.ge [sflag:s16], $0x2800  }
.Ltmp0:
0x2f: {  	[sflag:s16] =	ssyncset.done $0x0;
	(pc) =	sbr.rel @p0 .LBB2_2-.Ltmp0, $4  }
0x30: {  	[sflag:s16] =	ssyncadd.s32 $0xFFFFD800  }
0x31: {  	[spmem:s2] =	stream.indirect.scatter.add.f32 [tilespmem:s15], [sflag:$0x2], $0x80, s13, s14, $0xb8;
	[tilespmem:$0x16900] =	vst v63  }
0x32: {  	_ =	swait.ge [sflag:s12], $0x2800  }
0x33: {  	s19 =	smov.u32 s22;
	[sflag:s12] =	ssyncset.done $0x0  }
0x34: {  	s19 =	sadd.s32 s18, s10;
	[sflag:s12] =	ssyncadd.s32 $0xFFFFD800  }
0x35: {  	[tilespmem:s3], [sflag:$0x2] =	stream.linear.gather [hbm4b:s19+s3], $0x50, $0x38;
	[tilespmem:$0x16900] =	vst v63  }
0x36: {  	_ =	swait.ge [sflag:s12], $0x50  }
0x37: {  	[sflag:s12] =	ssyncset.done $0x0  }
0x38: {  	s31 =	sadd.s32 s18, s9;
	[sflag:s12] =	ssyncadd.s32 $0xFFFFFFB0  }
0x39: {  	[tilespmem:s13], [sflag:$0x2] =	stream.linear.gather [hbm4b:s31+s3], $0x50, $0x38;
	[tilespmem:$0x16900] =	vst v63  }
0x3a: {  	_ =	swait.ge [sflag:s12], $0x50  }
0x3b: {  	[sflag:s12] =	ssyncset.done $0x0  }
0x3c: {  	[sflag:s12] =	ssyncadd.s32 $0xFFFFFFB0  }
0x3d: {  	[tilespmem:s15], [sflag:$0x1] =	stream.indirect.gather [hbm4b:s4+s14], $0x80, s3, s14, $0xb8;
	[tilespmem:$0x16900] =	vst v63  }
0x3e: {  	_ =	swait.ge [sflag:s16], $0x2800  }
0x3f: {  	[sflag:s16] =	ssyncset.done $0x0  }
0x40: {  	[sflag:s16] =	ssyncadd.s32 $0xFFFFD800  }
0x41: {  	[spmem:s2] =	stream.indirect.scatter.add.f32 [tilespmem:s15], [sflag:$0x2], $0x80, s13, s14, $0xb8;
	[tilespmem:$0x16900] =	vst v63  }
0x42: {  	_ =	swait.ge [sflag:s12], $0x2800  }
0x43: {  	s17 =	sadd.s32 $0x1, s17;
	[sflag:s12] =	ssyncset.done $0x0  }
0x44: {  	p0 =	sne.s32 s17, s8;
	[sflag:s12] =	ssyncadd.s32 $0xFFFFD800  }
.Ltmp1:
0x45: {  	[bflag:$0x0] =	sbarrier.arrive $0xFFFF;
	(pc) =	sbr.rel @p0 .LBB2_1-.Ltmp1, $4  }
0x46: {  	[hbm:s7], [sflag:s6] =	dma.local [spmem:s11], $0x2800  }
0x47: {  	_ =	swait.ge [sflag:s12], $0x2800  }
0x48: {  	[sflag:s12] =	ssyncset.done $0x0  }
0x49: {  	[sflag:s12] =	ssyncadd.s32 $0xFFFFD800  }
0x4a: {  	_ =	sfence.sel $0x180000  }
0x4b: {  	[bflag:$0x0] =	sbarrier.arrive $0xFFFF  }
0x4c: {  	p0 =	sne.s32 s0, $0x0;
	_ =	strace $0x9000004D  }
0x4d: {  	s0 =	sadd.s32 @!p0 $0x100000, s1;
	[bflag:$0x2] =	sbarrier.arrive $0xFFFF  }
0x4e: {  	[sflag:s0] =	ssyncadd.tile.s32 @!p0 $0x1;
	_ =	shalt  }
.Lfunc_end2:
_tile_overlayer_lowered:
.L_overlay_start_2:
0x4f: {  	(tag) =	ssettag $0x2  }
0x50: {  	s0 =	rddreg [dreg:$0x0];
	s2 =	stileid.u32  }
0x51: {  	s1 =	rddreg [dreg:$0x1];
	p0 =	sne.s32 s2, $0x0  }
0x52: {  	s3 =	rddreg [dreg:$0x2];
	[bflag:$0x3] =	sbarrier.arrive $0xFFFF;
	s2 =	simm.s32 @!p0 $0x1C02  }
0x53: {  	[timem:s3], [sflag:s2] =	dma.local @!p0 [hbm:s0], s1  }
0x54: {  	s0 =	simm.s32 @!p0 $0x2  }
0x55: {  	_ =	swait.ge @!p0 [sflag:s0], s1  }
0x56: {  	s1 =	ssub.s32 @!p0 $0x0, s1;
	[sflag:s0] =	ssyncset.done @!p0 $0x0  }
0x57: {  	[sflag:s0] =	ssyncadd.s32 @!p0 s1  }
0x58: {  	[bflag:$0x3] =	sbarrier.arrive $0xFFFF  }
0x59: {  	_ =	shalt  }

// kernel: kernel.9.cloned.1.call-start
scs
__scs_entry_jumppad:
0x0: {  	(pc) =	sbr.rel $0x88, $3  }
0x1: {  	(tag) =	ssettag $0x0;
	lr =	simm.s32 $0x1  }
0x2: {  	[smem:$0x3F99] =	sst lr;
	_ =	strace $0xD0000000  }
0x3: {  	_ = 	snop  }
0x4: {  	_ = 	snop  }
0x5: {  	_ = 	snop  }
0x6: {  	_ = 	snop  }
0x7: {  	_ = 	snop  }
__scs_overlays_trampoline_lowered:
0x8: {  	[smem:$0x3FA8] =	sst s0  }
0x9: {  	[smem:$0x3FA9] =	sst s1  }
0xa: {  	[smem:$0x3FAA] =	sst s2  }
0xb: {  	[smem:$0x3FAB] =	sst s3  }
0xc: {  	[smem:$0x3FAC] =	sst s4  }
0xd: {  	[smem:$0x3FAD] =	sst s5  }
0xe: {  	[smem:$0x3FAE] =	sst s6  }
0xf: {  	[smem:$0x3FAF] =	sst s7  }
0x10: {  	[smem:$0x3FB0] =	sst s8  }
0x11: {  	[smem:$0x3FB1] =	sst s9;
	s0 =	simm.s32 @!p0 $0x0  }
0x12: {  	s1 =	sld [smem:$0x3F97];
	s0 =	simm.s32 @p0 $0x1  }
0x13: {  	[smem:$0x3FB2] =	sst s0;
	s0 =	simm.s32 @!p1 $0x0  }
0x14: {  	s2 =	sld [smem:$0x3F96];
	s0 =	simm.s32 @p1 $0x1  }
0x15: {  	[smem:$0x3FB3] =	sst s0;
	s0 =	simm.s32 @!p2 $0x0  }
0x16: {  	s3 =	sld [smem:$0x3FDB];
	s0 =	simm.s32 @p2 $0x1  }
0x17: {  	s4 =	simm.s32 $0x1BF5;
	[smem:$0x3FB5] =	sst s0  }
0x18: {  	s0 =	sld [smem:$0x3F98];
	_ =	swait.ge [sflag:s4], $0x0  }
0x19: {  	s7 =	sld [smem:$0x3F99]  }
0x1a: {  	s8 =	sadd.s32 $0xFFFFE003, lr  }
0x1b: {  	s9 =	sadd.s32 $0xFFFFFEF7, lr;
	s5 =	simm.s32 $0xFFFFFFFF;
	p2 =	slt.u32 s8, $0xFFFFF086  }
0x1c: {  	p1 =	slt.u32 s9, $0xF7A;
	s5 =	simm.s32 @!p2 $0x0  }
0x1d: {  	s5 =	simm.s32 @p1 $0x1;
	p0 =	seq.s32 s7, s2  }
0x1e: {  	s7 =	smul.u32 @!p0 $0xF7A, s2;
	p2 =	seq.s32 @!p0 s5, $0x0  }
0x1f: {  	s9 =	smul.u32 $0xF7A, s1;
	s8 =	simm.s32 @!p0 $0x1BF5;
	p2 =	por !p2, p0  }
0x20: {  	[sflag:s8] =	ssyncset.s32 @!p0 $0xFFFFF086;
	s6 =	sadd.s32 @!p0 s3, s7;
	s7 =	simm.s32 @!p0 $0x108  }
0x21: {  	s3 =	sadd.s32 s3, s9;
	s6 =	sadd.s32 @!p0 $0x88, s6;
	s7 =	simm.s32 @p2 $0x1082  }
0x22: {  	[simem:s7], [sflag:s8] =	dma.local @!p0 [hbm:s6], $0xF7A  }
0x23: {  	s9 =	sor.u32 $0xD0000000, s2;
	s6 =	simm.s32 $0x108;
	_ =	swait.ge @!p0 [sflag:s8], $0x0  }
0x24: {  	s3 =	sadd.s32 $0x88, s3;
	s6 =	simm.s32 @!p1 $0x1082;
	[sflag:s4] =	ssyncset.s32 $0xFFFFF086  }
0x25: {  	[simem:s6], [sflag:s4] =	dma.local [hbm:s3], $0xF7A  }
0x26: {  	[smem:$0x3F99] =	sst s1;
	(tag) =	ssettag s2;
	_ =	strace s9  }
0x27: {  	s1 =	sld [smem:$0x3FA9]  }
0x28: {  	s2 =	sld [smem:$0x3FAA]  }
0x29: {  	s4 =	sld [smem:$0x3FAC]  }
0x2a: {  	p0 =	seq.s32 s5, $0x0;
	s5 =	sld [smem:$0x3FAD]  }
0x2b: {  	s6 =	sld [smem:$0x3FAE]  }
0x2c: {  	s7 =	sld [smem:$0x3FAF]  }
0x2d: {  	s3 =	simm.s32 $0x108;
	s8 =	sld [smem:$0x3FB0]  }
0x2e: {  	s3 =	simm.s32 @!p0 $0x1082;
	s9 =	sld [smem:$0x3FB1]  }
0x2f: {  	lr =	sadd.s32 s0, s3;
	s0 =	sld [smem:$0x3FA8]  }
0x30: {  	s3 =	sld [smem:$0x3FAB]  }
0x31: {  	[smem:$0x3FB4] =	sst s10  }
0x32: {  	s10 =	sld [smem:$0x3FB2];
	_ =	sdelay $0x3  }
0x33: {  	p0 =	seq.s32 s10, $0x1;
	s10 =	sld [smem:$0x3FB4];
	_ =	sdelay $0x3  }
0x34: {  	[smem:$0x3FB4] =	sst s10  }
0x35: {  	s10 =	sld [smem:$0x3FB3];
	_ =	sdelay $0x3  }
0x36: {  	p1 =	seq.s32 s10, $0x1;
	s10 =	sld [smem:$0x3FB4];
	_ =	sdelay $0x3  }
0x37: {  	[smem:$0x3FB4] =	sst s10  }
0x38: {  	s10 =	sld [smem:$0x3FB5]  }
0x39: {  	_ = 	snop;
	(pc) =	sbr.ind lr, $3  }
0x3a: {  	_ = 	snop  }
0x3b: {  	_ = 	snop  }
0x3c: {  	p2 =	seq.s32 s10, $0x1;
	s10 =	sld [smem:$0x3FB4]  }
0x3d: {  	_ =	shalt  }
0x3e: {  	_ =	shalt  }
0x3f: {  	_ =	shalt  }
0x40: {  	_ =	shalt  }
0x41: {  	_ =	shalt  }
0x42: {  	_ =	shalt  }
0x43: {  	_ =	shalt  }
0x44: {  	_ =	shalt  }
0x45: {  	_ =	shalt  }
0x46: {  	_ =	shalt  }
0x47: {  	_ =	shalt  }
0x48: {  	_ =	shalt  }
0x49: {  	_ =	shalt  }
0x4a: {  	_ =	shalt  }
0x4b: {  	_ =	shalt  }
0x4c: {  	_ =	shalt  }
0x4d: {  	_ =	shalt  }
0x4e: {  	_ =	shalt  }
0x4f: {  	_ =	shalt  }
0x50: {  	_ =	shalt  }
0x51: {  	_ =	shalt  }
0x52: {  	_ =	shalt  }
0x53: {  	_ =	shalt  }
0x54: {  	_ =	shalt  }
0x55: {  	_ =	shalt  }
0x56: {  	_ =	shalt  }
0x57: {  	_ =	shalt  }
0x58: {  	_ =	shalt  }
0x59: {  	_ =	shalt  }
0x5a: {  	_ =	shalt  }
0x5b: {  	_ =	shalt  }
0x5c: {  	_ =	shalt  }
0x5d: {  	_ =	shalt  }
0x5e: {  	_ =	shalt  }
0x5f: {  	_ =	shalt  }
0x60: {  	_ =	shalt  }
0x61: {  	_ =	shalt  }
0x62: {  	_ =	shalt  }
0x63: {  	_ =	shalt  }
0x64: {  	_ =	shalt  }
0x65: {  	_ =	shalt  }
0x66: {  	_ =	shalt  }
0x67: {  	_ =	shalt  }
0x68: {  	_ =	shalt  }
0x69: {  	_ =	shalt  }
0x6a: {  	_ =	shalt  }
0x6b: {  	_ =	shalt  }
0x6c: {  	_ =	shalt  }
0x6d: {  	_ =	shalt  }
0x6e: {  	_ =	shalt  }
0x6f: {  	_ =	shalt  }
0x70: {  	_ =	shalt  }
0x71: {  	_ =	shalt  }
0x72: {  	_ =	shalt  }
0x73: {  	_ =	shalt  }
0x74: {  	_ =	shalt  }
0x75: {  	_ =	shalt  }
0x76: {  	_ =	shalt  }
0x77: {  	_ =	shalt  }
0x78: {  	_ =	shalt  }
0x79: {  	_ =	shalt  }
0x7a: {  	_ =	shalt  }
0x7b: {  	_ =	shalt  }
0x7c: {  	_ =	shalt  }
0x7d: {  	_ =	shalt  }
0x7e: {  	_ =	shalt  }
0x7f: {  	_ =	shalt  }
0x80: {  	_ =	shalt  }
0x81: {  	_ =	shalt  }
0x82: {  	_ =	shalt  }
0x83: {  	_ =	shalt  }
0x84: {  	_ =	shalt  }
0x85: {  	_ =	shalt  }
0x86: {  	_ =	shalt  }
0x87: {  	_ =	shalt  }
.Lfunc_end0:
.L_simem_size_0:
called_computation_lowered:
.L_overlay_start_0:
0x88: {  	s2 =	sld [smem:$0x3FD9]  }
0x89: {  	s3 =	sld [smem:$0x3FFE];
	_ =	sdelay $0x1  }
0x8a: {  	s1 =	srdreg.scid  }
0x8b: {  	s0 =	sand.u32 $0x1, s1  }
0x8c: {  	s16 =	sshll.u32 s0, $0xA;
	s2 =	sadd.s32 s3, s2  }
0x8d: {  	s2 =	sadd.s32 s2, s16  }
0x8e: {  	[smem:$0x3FC0] =	sst s2  }
0x8f: {  	_ = 	snop  }
0x90: {  	(tm) =	ssettm $0x1  }
0x91: {  	s17 =	sld [smem:$0x3FFB];
	_ =	sdelay $0x3  }
0x92: {  	_ =	strace s17  }
0x93: {  	s2 =	sld [smem:$0x3FFC];
	_ =	sdelay $0x3  }
0x94: {  	_ =	strace s2  }
0x95: {  	s2 =	sld [smem:$0x3FFD];
	_ =	sdelay $0x3  }
0x96: {  	_ =	strace s2  }
0x97: {  	_ =	strace $0x8FFFFFFF  }
0x98: {  	s18 =	sld [smem:$0x3FDB];
	_ =	sdelay $0x1  }
0x99: {  	s19 =	simm.s32 $_scs_section_size  }
0x9a: {  	s4 =	simm.s32 $_size__tile_overlayer_lowered;
	s5 =	simm.s32 $_tile_overlayer_lowered  }
0x9b: {  	s22 =	simm.s32 $0x1BFF;
	s21 =	sshll.u32 s5, $0x1;
	s2 =	sadd.s32 s19, s18  }
0x9c: {  	s6 =	simm.s32 $0x0;
	s20 =	sshll.u32 s4, $0x1;
	s4 =	sadd.s32 s21, s2  }
0x9d: {  	[timem:s6], [sflag:s22] =	dma.local [hbm:s4], s20  }
0x9e: {  	_ =	swait.ge [sflag:s22], s20  }
0x9f: {  	s3 =	ssub.s32 $0x0, s20;
	[sflag:s22] =	ssyncset.done $0x0  }
0xa0: {  	[sflag:s22] =	ssyncadd.s32 s3;
	_ =	sdelay $0x1  }
0xa1: {  	s23 =	simm.s32 $0x1B8B  }
0xa2: {  	_ =	swait.ge [sflag:s23], $0x1  }
0xa3: {  	[sflag:s23] =	ssyncset.done $0x0  }
0xa4: {  	s25 =	simm.s32 $0x1B8E;
	s24 =	sld [smem:$0x3FFE];
	[sflag:s23] =	ssyncadd.s32 $0xFFFFFFFF  }
0xa5: {  	s26 =	simm.s32 $execute0_lowered;
	[smem:$0x3FD2] =	sst s25  }
0xa6: {  	s4 =	sshll.u32 s26, $0x1;
	_ =	strace $0x80000046;
	[dreg:$0x1] =	wrdreg $0xFFFFFFFF  }
0xa7: {  	s28 =	simm.s32 $_size_execute0_lowered;
	s2 =	sadd.s32 s2, s4;
	[dreg:$0x0] =	wrdreg $0x0  }
0xa8: {  	s4 =	sshll.u32 s28, $0x1;
	[dreg:$0x2] =	wrdreg s2  }
0xa9: {  	[dreg:$0x3] =	wrdreg s4  }
0xaa: {  	[dreg:$0x4] =	wrdreg $0xC0  }
0xab: {  	_ =	task [dreg:s6], $0x5FFFF  }
0xac: {  	[dreg:$0x1] =	wrdreg $0xFFFFFFFF  }
0xad: {  	[dreg:$0x0] =	wrdreg $0x60  }
0xae: {  	[dreg:$0x2] =	wrdreg s24  }
0xaf: {  	[dreg:$0x3] =	wrdreg $0x28800  }
0xb0: {  	[dreg:$0x4] =	wrdreg $0x9  }
0xb1: {  	_ =	task.clear_ibuf [dreg:s6], $0x5FFFF;
	_ =	strace $0x90000046  }
0xb2: {  	s29 =	simm.s32 $0x9;
	_ =	strace $0x80000048  }
0xb3: {  	_ =	swait.ge [sflag:s29], $0x1  }
0xb4: {  	[sflag:s29] =	ssyncadd.s32 $0xFFFFFFFF  }
0xb5: {  	_ =	strace $0x90000048  }
0xb6: {  	_ =	sfence  }
0xb7: {  	s30 =	sld [smem:$0x0];
	_ =	sdelay $0x2  }
0xb8: {  	s31 =	sshll.u32 s1, $0xD;
	s1 =	sshrl.u32 s1, $0x2  }
0xb9: {  	s3 =	sand.u32 $0x4000, s31;
	s1 =	sadd.s32 s1, s30  }
0xba: {  	s0 =	sor.u32 s3, s0;
	s1 =	sshll.u32 s1, $0x11  }
0xbb: {  	s0 =	sor.u32 s1, s0  }
0xbc: {  	s0 =	sadd.s32 $0x8F2B, s0  }
0xbd: {  	[sflag:s0] =	ssyncadd.remote.s32 $0x1  }
0xbe: {  	_ =	sfence.sel $0xFFFF  }
0xbf: {  	[dreg:$0x0] =	wrdreg $0xFFFFFFFF;
	(pc) =	sbr.abs _section_cstart, $3  }
0xc0: {  	[dreg:$0x1] =	wrdreg $0xFFFFFFFF  }
0xc1: {  	_ =	task.clear_ibuf [dreg:s6], $0x2FFFF;
	_ =	strace $0x9FFFFFFF  }
0xc2: {  	(tm) =	ssettm $0x7FFFFFFF  }
0xc3: {  	_ =	shalt  }
tec
execute0_lowered:
.L_overlay_start_1:
0x0: {  	(tag) =	ssettag $0x1  }
0x1: {  	s0 =	srdreg.scid;
	s6 =	rddreg [dreg:$0x0]  }
0x2: {  	s2 =	rddreg [dreg:$0x1];
	s7 =	sand.u32 $0x1, s0  }
0x3: {  	s0 =	stileid.u32;
	s4 =	smul.u32 $0x27100, s7  }
0x4: {  	s1 =	rddreg [dreg:$0x2];
	s3 =	simm.s32 $0x0;
	s5 =	smul.u32 $0x2710, s0  }
0x5: {  	s13 =	simm.s32 $0x50;
	[smem:$0x7FF] =	sst s3;
	s8 =	smul.u32 $0x2800, s0  }
0x6: {  	s14 =	simm.s32 $0x0;
	_ =	strace $0x80000047;
	s9 =	smul.u32 $0x28000, s7  }
0x7: {  	s11 =	smul.u32 $0x50000, s0;
	s7 =	ssub.s32 $0x2, s7;
	s31 =	sshll.u32 s0, $0x6  }
0x8: {  	s28 =	sshrl.u32 s7, $0x1;
	s4 =	sadd.s32 s5, s4;
	s5 =	sadd.s32 $0x16E00, s6  }
0x9: {  	s8 =	sadd.s32 s8, s9;
	s29 =	sshrl.u32 s11, $0x2;
	s30 =	ssub.s32 s7, s28  }
0xa: {  	s11 =	simm.s32 $0x1;
	s4 =	sshrl.u32 s4, $0x3;
	s8 =	sadd.s32 s8, s6  }
0xb: {  	s12 =	sadd.s32 s29, s2;
	s10 =	sadd.s32 s4, s6;
	s4 =	sadd.s32 $0x19600, s6  }
0xc: {  	s6 =	sor.u32 $0x1C01, s31;
	s7 =	sadd.s32 $0x19C00, s8;
	s8 =	smax.u32 s30, $0x1  }
0xd: {  	s9 =	sadd.s32 $0xD000, s10;
	s10 =	sshrl.u32 s12, $0x3;
	s12 =	simm.s32 $0x80  }
.LBB2_1:
0xe: {  	[spmem:s10], [sflag:s6] =	dma.local [hbm:s5], $0x2800  }
0xf: {  	_ =	swait.ge [sflag:s11], $0x2800  }
0x10: {  	[sflag:s11] =	ssyncset.done $0x0  }
0x11: {  	[sflag:s11] =	ssyncadd.s32 $0xFFFFD800  }
0x12: {  	[tilespmem:s12], [sflag:$0x1] =	stream.linear.gather [hbm4b:s4+s3], $0x2800, $0x38;
	[tilespmem:$0x16880] =	vst v63  }
0x13: {  	_ =	swait.ge [sflag:s11], $0x2800  }
0x14: {  	[sflag:s11] =	ssyncset.done $0x0  }
0x15: {  	[sflag:s11] =	ssyncadd.s32 $0xFFFFD800  }
0x16: {  	s15 =	sadd.s32 $0x0, s9;
	[bflag:$0x0] =	sbarrier.arrive $0xFFFF  }
0x17: {  	[tilespmem:s3], [sflag:$0x1] =	stream.linear.gather [hbm4b:s15+s3], $0x50, $0x38;
	[tilespmem:$0x16880] =	vst v63  }
0x18: {  	_ =	swait.ge [sflag:s11], $0x50  }
0x19: {  	[sflag:s11] =	ssyncset.done $0x0  }
0x1a: {  	[sflag:s11] =	ssyncadd.s32 $0xFFFFFFB0  }
0x1b: {  	[spmem:s2] =	stream.indirect.scatter.add.f32 [tilespmem:s12], [sflag:$0x1], $0x80, s3, s13, $0xb8;
	[tilespmem:$0x16880] =	vst v63  }
0x1c: {  	_ =	swait.ge [sflag:s11], $0x2800  }
0x1d: {  	s16 =	simm.s32 $0x14;
	s15 =	simm.s32 $0xA;
	[sflag:s11] =	ssyncset.done $0x0  }
.LBB2_2:
0x1e: {  	s17 =	sadd.s32 s15, s9  }
0x1f: {  	[sflag:s11] =	ssyncadd.s32 $0xFFFFD800;
	s15 =	smov.u32 s16;
	s18 =	sadd.s32 $0xA, s16  }
0x20: {  	[tilespmem:s3], [sflag:$0x1] =	stream.linear.gather [hbm4b:s17+s3], $0x50, $0x38;
	[tilespmem:$0x16880] =	vst v63  }
0x21: {  	p0 =	sne.s32 s16, $0x4D8;
	_ =	swait.ge [sflag:s11], $0x50  }
.Ltmp0:
0x22: {  	[sflag:s11] =	ssyncset.done $0x0;
	(pc) =	sbr.rel @p0 .LBB2_2-.Ltmp0, $4  }
0x23: {  	[sflag:s11] =	ssyncadd.s32 $0xFFFFFFB0  }
0x24: {  	[spmem:s2] =	stream.indirect.scatter.add.f32 [tilespmem:s12], [sflag:$0x1], $0x80, s3, s13, $0xb8;
	[tilespmem:$0x16880] =	vst v63  }
0x25: {  	_ =	swait.ge [sflag:s11], $0x2800  }
0x26: {  	s16 =	smov.u32 s18;
	[sflag:s11] =	ssyncset.done $0x0  }
0x27: {  	s15 =	sadd.s32 s15, s9;
	[sflag:s11] =	ssyncadd.s32 $0xFFFFD800  }
0x28: {  	[tilespmem:s3], [sflag:$0x1] =	stream.linear.gather [hbm4b:s15+s3], $0x50, $0x38;
	[tilespmem:$0x16880] =	vst v63  }
0x29: {  	_ =	swait.ge [sflag:s11], $0x50  }
0x2a: {  	[sflag:s11] =	ssyncset.done $0x0  }
0x2b: {  	[sflag:s11] =	ssyncadd.s32 $0xFFFFFFB0  }
0x2c: {  	[spmem:s2] =	stream.indirect.scatter.add.f32 [tilespmem:s12], [sflag:$0x1], $0x80, s3, s13, $0xb8;
	[tilespmem:$0x16880] =	vst v63  }
0x2d: {  	_ =	swait.ge [sflag:s11], $0x2800  }
0x2e: {  	s14 =	sadd.s32 $0x1, s14;
	[sflag:s11] =	ssyncset.done $0x0  }
0x2f: {  	p0 =	sne.s32 s14, s8;
	[sflag:s11] =	ssyncadd.s32 $0xFFFFD800  }
.Ltmp1:
0x30: {  	[bflag:$0x0] =	sbarrier.arrive $0xFFFF;
	(pc) =	sbr.rel @p0 .LBB2_1-.Ltmp1, $4  }
0x31: {  	[hbm:s7], [sflag:s6] =	dma.local [spmem:s10], $0x2800  }
0x32: {  	_ =	swait.ge [sflag:s11], $0x2800  }
0x33: {  	[sflag:s11] =	ssyncset.done $0x0  }
0x34: {  	[sflag:s11] =	ssyncadd.s32 $0xFFFFD800  }
0x35: {  	_ =	sfence.sel $0x180000  }
0x36: {  	[bflag:$0x0] =	sbarrier.arrive $0xFFFF  }
0x37: {  	p0 =	sne.s32 s0, $0x0;
	_ =	strace $0x90000047  }
0x38: {  	s0 =	sadd.s32 @!p0 $0x100000, s1;
	[bflag:$0x2] =	sbarrier.arrive $0xFFFF  }
0x39: {  	[sflag:s0] =	ssyncadd.tile.s32 @!p0 $0x1;
	_ =	shalt  }
.Lfunc_end2:
_tile_overlayer_lowered:
.L_overlay_start_2:
0x3a: {  	(tag) =	ssettag $0x2  }
0x3b: {  	s0 =	rddreg [dreg:$0x0];
	s2 =	stileid.u32  }
0x3c: {  	s1 =	rddreg [dreg:$0x1];
	p0 =	sne.s32 s2, $0x0  }
0x3d: {  	s3 =	rddreg [dreg:$0x2];
	[bflag:$0x3] =	sbarrier.arrive $0xFFFF;
	s2 =	simm.s32 @!p0 $0x1C01  }
0x3e: {  	[timem:s3], [sflag:s2] =	dma.local @!p0 [hbm:s0], s1  }
0x3f: {  	s0 =	simm.s32 @!p0 $0x1  }
0x40: {  	_ =	swait.ge @!p0 [sflag:s0], s1  }
0x41: {  	s1 =	ssub.s32 @!p0 $0x0, s1;
	[sflag:s0] =	ssyncset.done @!p0 $0x0  }
0x42: {  	[sflag:s0] =	ssyncadd.s32 @!p0 s1  }
0x43: {  	[bflag:$0x3] =	sbarrier.arrive $0xFFFF  }
0x44: {  	_ =	shalt  }

</sc_bundles>
